<compile_context>
chip_gen: v7x
topology: tpu7x:2x2x1
jax: 0.10.2.dev20260603
libtpu: 0.0.44.dev20260713+nightly
codegen_flags: <defaults>
</compile_context>

<pallas_src>
import jax
import jax.numpy as jnp
from jax import lax
from jax.experimental import pallas as pl
from jax.experimental.pallas import tpu as pltpu
from jax.experimental.pallas import tpu_sc as plsc

N_NODES = 10000
D = 256
DP = 288
E_PAD = 163840
EPT = E_PAD // 16
SBLK = 512
N_SBLK = EPT // SBLK
CAP = 5696
CHUNK = 32
N_GCH = CAP // CHUNK
HALF = N_NODES // 2
ACC_ROWS = 5120
ZCH = 10
TBL_ROWS = N_NODES + 16
ZROW = N_NODES + 8
NBUF = 2


def _sc_body(tbl, srcs, dsts, out, wl_src, wl_dst, sb0, sb1, db0, db1,
             rows0, rows1, x0, x1, sem0, sem1, isem0, isem1, acc):
    c = lax.axis_index("c")
    s = lax.axis_index("s")
    sbs = (sb0, sb1)
    dbs = (db0, db1)
    rowss = (rows0, rows1)
    xbs = (x0, x1)
    sems = (sem0, sem1)
    isems = (isem0, isem1)

    ebase = s * EPT
    lo = c * HALF

    zeros16 = jnp.zeros((16,), jnp.float32)

    def zrow(r, _):
        for j in range(DP // 16):
            rows0[r, pl.ds(j * 16, 16)] = zeros16
        return 0

    lax.fori_loop(0, CHUNK, zrow, 0)
    for k in range(ZCH):
        pltpu.sync_copy(rows0.at[pl.ds(0, CHUNK)],
                        acc.at[pl.ds((s * ZCH + k) * CHUNK, CHUNK)])

    zrow_v = jnp.full((16,), ZROW, jnp.int32)
    dump_v = jnp.full((16,), HALF, jnp.int32) + lax.iota(jnp.int32, 16)

    def pre(i, _):
        wl_src[pl.ds(i * 16, 16)] = zrow_v
        wl_dst[pl.ds(i * 16, 16)] = dump_v
        return 0

    lax.fori_loop(0, CAP // 16, pre, 0)

    def fire_scan(blk, ib):
        off = ebase + blk * SBLK
        pltpu.async_copy(srcs.at[pl.ds(off, SBLK)], sbs[ib], isems[ib])
        pltpu.async_copy(dsts.at[pl.ds(off, SBLK)], dbs[ib], isems[ib])

    def wait_scan(ib):
        pltpu.make_async_copy(srcs.at[pl.ds(0, SBLK)], sbs[ib],
                              isems[ib]).wait()
        pltpu.make_async_copy(dsts.at[pl.ds(0, SBLK)], dbs[ib],
                              isems[ib]).wait()

    def scan_block(blk, ib, off0):
        wait_scan(ib)

        @pl.when(blk < N_SBLK - 1)
        def _():
            fire_scan(blk + 1, 1 - ib)

        def group(i, off):
            svec = sbs[ib][pl.ds(i * 16, 16)]
            dvec = dbs[ib][pl.ds(i * 16, 16)]
            ldst = dvec - lo
            mask = (dvec >= lo) & (ldst < HALF)
            inc = mask.astype(jnp.int32)
            csum = plsc.cumsum(inc)
            pos = off + csum - 1
            plsc.store_scatter(wl_src, [pos], svec, mask=mask)
            plsc.store_scatter(wl_dst, [pos], ldst, mask=mask)
            return off + jnp.sum(inc)

        return lax.fori_loop(0, SBLK // 16, group, off0)

    fire_scan(0, 0)

    def scan_step(h, off):
        for ib in range(2):
            off = scan_block(2 * h + ib, ib, off)
        return off

    n_match = lax.fori_loop(0, N_SBLK // 2, scan_step, 0)
    plsc.subcore_barrier()

    def fire(k, b):
        idx = wl_src.at[pl.ds(k * CHUNK, CHUNK)]
        pltpu.async_copy(tbl.at[idx], rowss[b], sems[b])
        for j in range(CHUNK // 16):
            xbs[b][pl.ds(j * 16, 16)] = wl_dst[pl.ds(k * CHUNK + j * 16, 16)]

    def drain(b):
        pltpu.make_async_copy(tbl.at[wl_src.at[pl.ds(0, CHUNK)]],
                              rowss[b], sems[b]).wait()

    for b in range(NBUF):
        fire(b, b)

    n_steps = (n_match + 2 * CHUNK - 1) // (2 * CHUNK) + 1

    def gstep(t, _):
        for b in range(NBUF):
            drain(b)
            pltpu.sync_copy(rowss[b], acc.at[xbs[b]], add=True)

            @pl.when(t < n_steps - 1)
            def _():
                fire(t * NBUF + b + NBUF, b)
        return 0

    lax.fori_loop(0, n_steps, gstep, 0)
    plsc.subcore_barrier()

    rbase = s * 313
    pltpu.sync_copy(acc.at[pl.ds(rbase, 305)],
                    out.at[pl.ds(c * HALF + rbase, 305)])

    @pl.when(s < 15)
    def _():
        pltpu.sync_copy(acc.at[pl.ds(rbase + 305, 8)],
                        out.at[pl.ds(c * HALF + rbase + 305, 8)])


def _sc_aggregate(tbl, srcs, dsts):
    mesh = plsc.VectorSubcoreMesh(core_axis_name="c", subcore_axis_name="s")
    return pl.kernel(
        _sc_body,
        out_type=jax.ShapeDtypeStruct((N_NODES, DP), jnp.float32),
        mesh=mesh,
        scratch_types=[
            pltpu.VMEM((CAP,), jnp.int32),
            pltpu.VMEM((CAP,), jnp.int32),
            pltpu.VMEM((SBLK,), jnp.int32),
            pltpu.VMEM((SBLK,), jnp.int32),
            pltpu.VMEM((SBLK,), jnp.int32),
            pltpu.VMEM((SBLK,), jnp.int32),
            pltpu.VMEM((CHUNK, DP), jnp.float32),
            pltpu.VMEM((CHUNK, DP), jnp.float32),
            pltpu.VMEM((CHUNK,), jnp.int32),
            pltpu.VMEM((CHUNK,), jnp.int32),
            pltpu.SemaphoreType.DMA,
            pltpu.SemaphoreType.DMA,
            pltpu.SemaphoreType.DMA,
            pltpu.SemaphoreType.DMA,
            pltpu.VMEM_SHARED((ACC_ROWS, DP), jnp.float32),
        ],
        compiler_params=pltpu.CompilerParams(use_tc_tiling_on_sc=False,
                                             needs_layout_passes=False),
    )(tbl, srcs, dsts)


def _tc_body(sum_ref, deg_ref, x_ref, wn_ref, bn_ref, wl_ref, bl_ref, o_ref):
    recip = 1.0 / jnp.maximum(deg_ref[...], 1.0)
    h_in = sum_ref[...] * recip
    h = lax.dot_general(h_in, wn_ref[...], (((1,), (1,)), ((), ())),
                        preferred_element_type=jnp.float32) + bn_ref[...]
    l = lax.dot_general(x_ref[...], wl_ref[...], (((1,), (1,)), ((), ())),
                        preferred_element_type=jnp.float32) + bl_ref[...]
    h = jnp.where(h > 0, h, jnp.exp(jnp.minimum(h, 0.0)) - 1.0)
    l = jnp.where(l > 0, l, jnp.exp(jnp.minimum(l, 0.0)) - 1.0)
    o_ref[...] = h + l


def _tc_finish(agg, deg, x, w_neigh, b_neigh, w_lin, b_lin):
    blk = 1000
    grid = N_NODES // blk
    return pl.pallas_call(
        _tc_body,
        grid=(grid,),
        in_specs=[
            pl.BlockSpec((blk, D), lambda i: (i, 0)),
            pl.BlockSpec((blk, 1), lambda i: (i, 0)),
            pl.BlockSpec((blk, D), lambda i: (i, 0)),
            pl.BlockSpec((D, D), lambda i: (0, 0)),
            pl.BlockSpec((1, D), lambda i: (0, 0)),
            pl.BlockSpec((D, D), lambda i: (0, 0)),
            pl.BlockSpec((1, D), lambda i: (0, 0)),
        ],
        out_specs=pl.BlockSpec((blk, D), lambda i: (i, 0)),
        out_shape=jax.ShapeDtypeStruct((N_NODES, D), jnp.float32),
    )(agg, deg, x, w_neigh, b_neigh.reshape(1, D), w_lin, b_lin.reshape(1, D))


@jax.jit
def kernel(x, edge_index, W_neigh, b_neigh, W_lin, b_lin):
    src = edge_index[0].astype(jnp.int32)
    dst = edge_index[1].astype(jnp.int32)
    e = src.shape[0]
    src_p = jnp.concatenate([src, jnp.zeros((E_PAD - e,), jnp.int32)])
    dst_p = jnp.concatenate([dst, jnp.full((E_PAD - e,), -1, jnp.int32)])

    ones = jnp.ones((N_NODES, 1), jnp.float32)
    zpad = jnp.zeros((N_NODES, DP - D - 1), jnp.float32)
    zrows = jnp.zeros((TBL_ROWS - N_NODES, DP), jnp.float32)
    tbl = jnp.concatenate([jnp.concatenate([x, ones, zpad], 1), zrows], 0)

    agg = _sc_aggregate(tbl, src_p, dst_p)
    deg = agg[:, D:D + 1]
    return _tc_finish(agg, deg, x, W_neigh, b_neigh, W_lin, b_lin)

# --- scband reference (transcript-rebuilt; emitter-appended) ---
"""Pipeline reference for scband-attribute-aggregate-10496900072250 (READ-ONLY COPY).

The authoritative reference and input builder live on the scoring server;
editing this copy changes nothing except your own understanding.
"""

import jax, jax.numpy as jnp
import numpy as np

N_NODES = 10000
N_EDGES = 160000
D_IN = 256
D_OUT = 256

def setup_inputs(seed: int = 0) -> dict:
    key = jax.random.key(seed)
    k1, k2, k3, k4, k5, k6 = jax.random.split(key, 6)
    x = jax.random.normal(k1, (N_NODES, D_IN), dtype=jnp.float32)
    edge_index = jax.random.randint(k2, (2, N_EDGES), 0, N_NODES, dtype=jnp.int64)
    # fc_neigh: Linear(in_dim, out_dim)
    W_neigh = jax.random.normal(k3, (D_OUT, D_IN), dtype=jnp.float32) * (1.0 / np.sqrt(D_IN))
    b_neigh = jax.random.normal(k4, (D_OUT,), dtype=jnp.float32) * 0.01
    # _linear: Linear(out_dim, out_dim)  (applied to x; in_dim == out_dim here)
    W_lin = jax.random.normal(k5, (D_OUT, D_OUT), dtype=jnp.float32) * (1.0 / np.sqrt(D_OUT))
    b_lin = jax.random.normal(k6, (D_OUT,), dtype=jnp.float32) * 0.01
    return {"x": x, "edge_index": edge_index, "W_neigh": W_neigh, "b_neigh": b_neigh, "W_lin": W_lin, "b_lin": b_lin}

def reference(x, edge_index, W_neigh, b_neigh, W_lin, b_lin):
    # aggr == 'mean_3':
    #   h_neigh = mean over incoming-edge src features (0 for isolated nodes, matching DGL mean)
    #   out = elu(fc_neigh(h_neigh)) + elu(_linear(x))
    src = edge_index[0]
    dst = edge_index[1]
    msgs = jnp.take(x, src, axis=0)                                   # gather [E, D_IN]
    summed = jax.ops.segment_sum(msgs, dst, num_segments=N_NODES)     # scatter-add [N, D_IN]
    deg = jax.ops.segment_sum(jnp.ones((msgs.shape[0],), dtype=x.dtype), dst, num_segments=N_NODES)
    h_neigh = summed / jnp.maximum(deg, 1.0)[:, None]
    h = jax.nn.elu(h_neigh @ W_neigh.T + b_neigh)
    out = h + jax.nn.elu(x @ W_lin.T + b_lin)
    return out

if __name__ == "__main__":
    import jax
    _d = setup_inputs()
    print(jax.jit(kernel)(*tuple(_d.values())))

</pallas_src>

<mosaic_0001>
#map = affine_map<(d0, d1) -> (0, 0)>
#map1 = affine_map<(d0, d1) -> (0)>
module attributes {stable_mosaic.version = 14 : i64} {
  func.func @_sc_body(%arg0: i32, %arg1: i32, %arg2: memref<10016x288xf32, #tpu.memory_space<hbm>>, %arg3: memref<163840xi32, #tpu.memory_space<hbm>>, %arg4: memref<163840xi32, #tpu.memory_space<hbm>>, %arg5: memref<10000x288xf32, #tpu.memory_space<hbm>>, %arg6: memref<5696xi32, #tpu.memory_space<vmem>>, %arg7: memref<5696xi32, #tpu.memory_space<vmem>>, %arg8: memref<512xi32, #tpu.memory_space<vmem>>, %arg9: memref<512xi32, #tpu.memory_space<vmem>>, %arg10: memref<512xi32, #tpu.memory_space<vmem>>, %arg11: memref<512xi32, #tpu.memory_space<vmem>>, %arg12: memref<32x288xf32, #tpu.memory_space<vmem>>, %arg13: memref<32x288xf32, #tpu.memory_space<vmem>>, %arg14: memref<32xi32, #tpu.memory_space<vmem>>, %arg15: memref<32xi32, #tpu.memory_space<vmem>>, %arg16: memref<!tpu.dma_semaphore, #tpu.memory_space<semaphore_mem>>, %arg17: memref<!tpu.dma_semaphore, #tpu.memory_space<semaphore_mem>>, %arg18: memref<!tpu.dma_semaphore, #tpu.memory_space<semaphore_mem>>, %arg19: memref<!tpu.dma_semaphore, #tpu.memory_space<semaphore_mem>>, %arg20: memref<5120x288xf32, #tpu.memory_space<vmem_shared>>) attributes {dimension_semantics = [#tpu.dimension_semantics<core_parallel>, #tpu.dimension_semantics<subcore_parallel>], iteration_bounds = array<i64: 2, 16>, scalar_prefetch = 0 : i64, scratch_operands = 15 : i64, tpu.core_type = #tpu.core_type<sc_vector_subcore>, window_params = [{transform_indices = #map}, {transform_indices = #map1}, {transform_indices = #map1}, {transform_indices = #map}]} {
    %mul3A = arith.constant 10240 : i32
    %mul3A_0 = arith.muli %arg1, %mul3A : i32
    %mul3A_1 = arith.constant 5000 : i32
    %mul3A_2 = arith.muli %arg0, %mul3A_1 : i32
    %broadcast_in_dim3A = arith.constant 0.000000e+00 : f32
    %broadcast_in_dim3A_3 = vector.broadcast %broadcast_in_dim3A : f32 to vector<16xf32>
    %scan3A = arith.constant 0 : i32
    %scan3A_4 = arith.constant 0 : i32
    %scan3A_5 = arith.constant 32 : i32
    %scan3A_6 = arith.addi %scan3A_4, %scan3A_5 : i32
    %scan3A_7 = arith.constant 1 : i32
    %scan3A_8 = scf.for %scan3A_158 = %scan3A_4 to %scan3A_6 step %scan3A_7 iter_args(%scan3A_159 = %scan3A) -> (i32)  : i32 {
      %swap3A_160 = arith.index_cast %scan3A_158 : i32 to index
      %swap3A_161 = arith.constant 0 : index
      %swap3A_162 = tpu.vector_load %arg12[%swap3A_160, %swap3A_161] {strides = array<i32>} : memref<32x288xf32, #tpu.memory_space<vmem>>, vector<16xf32>,
      tpu.vector_store %arg12[%swap3A_160, %swap3A_161], %broadcast_in_dim3A_3 {strides = array<i32>} : memref<32x288xf32, #tpu.memory_space<vmem>>, vector<16xf32>,
      %swap3A_163 = arith.index_cast %scan3A_158 : i32 to index
      %swap3A_164 = arith.constant 16 : index
      %swap3A_165 = tpu.vector_load %arg12[%swap3A_163, %swap3A_164] {strides = array<i32>} : memref<32x288xf32, #tpu.memory_space<vmem>>, vector<16xf32>,
      tpu.vector_store %arg12[%swap3A_163, %swap3A_164], %broadcast_in_dim3A_3 {strides = array<i32>} : memref<32x288xf32, #tpu.memory_space<vmem>>, vector<16xf32>,
      %swap3A_166 = arith.index_cast %scan3A_158 : i32 to index
      %swap3A_167 = arith.constant 32 : index
      %swap3A_168 = tpu.vector_load %arg12[%swap3A_166, %swap3A_167] {strides = array<i32>} : memref<32x288xf32, #tpu.memory_space<vmem>>, vector<16xf32>,
      tpu.vector_store %arg12[%swap3A_166, %swap3A_167], %broadcast_in_dim3A_3 {strides = array<i32>} : memref<32x288xf32, #tpu.memory_space<vmem>>, vector<16xf32>,
      %swap3A_169 = arith.index_cast %scan3A_158 : i32 to index
      %swap3A_170 = arith.constant 48 : index
      %swap3A_171 = tpu.vector_load %arg12[%swap3A_169, %swap3A_170] {strides = array<i32>} : memref<32x288xf32, #tpu.memory_space<vmem>>, vector<16xf32>,
      tpu.vector_store %arg12[%swap3A_169, %swap3A_170], %broadcast_in_dim3A_3 {strides = array<i32>} : memref<32x288xf32, #tpu.memory_space<vmem>>, vector<16xf32>,
      %swap3A_172 = arith.index_cast %scan3A_158 : i32 to index
      %swap3A_173 = arith.constant 64 : index
      %swap3A_174 = tpu.vector_load %arg12[%swap3A_172, %swap3A_173] {strides = array<i32>} : memref<32x288xf32, #tpu.memory_space<vmem>>, vector<16xf32>,
      tpu.vector_store %arg12[%swap3A_172, %swap3A_173], %broadcast_in_dim3A_3 {strides = array<i32>} : memref<32x288xf32, #tpu.memory_space<vmem>>, vector<16xf32>,
      %swap3A_175 = arith.index_cast %scan3A_158 : i32 to index
      %swap3A_176 = arith.constant 80 : index
      %swap3A_177 = tpu.vector_load %arg12[%swap3A_175, %swap3A_176] {strides = array<i32>} : memref<32x288xf32, #tpu.memory_space<vmem>>, vector<16xf32>,
      tpu.vector_store %arg12[%swap3A_175, %swap3A_176], %broadcast_in_dim3A_3 {strides = array<i32>} : memref<32x288xf32, #tpu.memory_space<vmem>>, vector<16xf32>,
      %swap3A_178 = arith.index_cast %scan3A_158 : i32 to index
      %swap3A_179 = arith.constant 96 : index
      %swap3A_180 = tpu.vector_load %arg12[%swap3A_178, %swap3A_179] {strides = array<i32>} : memref<32x288xf32, #tpu.memory_space<vmem>>, vector<16xf32>,
      tpu.vector_store %arg12[%swap3A_178, %swap3A_179], %broadcast_in_dim3A_3 {strides = array<i32>} : memref<32x288xf32, #tpu.memory_space<vmem>>, vector<16xf32>,
      %swap3A_181 = arith.index_cast %scan3A_158 : i32 to index
      %swap3A_182 = arith.constant 112 : index
      %swap3A_183 = tpu.vector_load %arg12[%swap3A_181, %swap3A_182] {strides = array<i32>} : memref<32x288xf32, #tpu.memory_space<vmem>>, vector<16xf32>,
      tpu.vector_store %arg12[%swap3A_181, %swap3A_182], %broadcast_in_dim3A_3 {strides = array<i32>} : memref<32x288xf32, #tpu.memory_space<vmem>>, vector<16xf32>,
      %swap3A_184 = arith.index_cast %scan3A_158 : i32 to index
      %swap3A_185 = arith.constant 128 : index
      %swap3A_186 = tpu.vector_load %arg12[%swap3A_184, %swap3A_185] {strides = array<i32>} : memref<32x288xf32, #tpu.memory_space<vmem>>, vector<16xf32>,
      tpu.vector_store %arg12[%swap3A_184, %swap3A_185], %broadcast_in_dim3A_3 {strides = array<i32>} : memref<32x288xf32, #tpu.memory_space<vmem>>, vector<16xf32>,
      %swap3A_187 = arith.index_cast %scan3A_158 : i32 to index
      %swap3A_188 = arith.constant 144 : index
      %swap3A_189 = tpu.vector_load %arg12[%swap3A_187, %swap3A_188] {strides = array<i32>} : memref<32x288xf32, #tpu.memory_space<vmem>>, vector<16xf32>,
      tpu.vector_store %arg12[%swap3A_187, %swap3A_188], %broadcast_in_dim3A_3 {strides = array<i32>} : memref<32x288xf32, #tpu.memory_space<vmem>>, vector<16xf32>,
      %swap3A_190 = arith.index_cast %scan3A_158 : i32 to index
      %swap3A_191 = arith.constant 160 : index
      %swap3A_192 = tpu.vector_load %arg12[%swap3A_190, %swap3A_191] {strides = array<i32>} : memref<32x288xf32, #tpu.memory_space<vmem>>, vector<16xf32>,
      tpu.vector_store %arg12[%swap3A_190, %swap3A_191], %broadcast_in_dim3A_3 {strides = array<i32>} : memref<32x288xf32, #tpu.memory_space<vmem>>, vector<16xf32>,
      %swap3A_193 = arith.index_cast %scan3A_158 : i32 to index
      %swap3A_194 = arith.constant 176 : index
      %swap3A_195 = tpu.vector_load %arg12[%swap3A_193, %swap3A_194] {strides = array<i32>} : memref<32x288xf32, #tpu.memory_space<vmem>>, vector<16xf32>,
      tpu.vector_store %arg12[%swap3A_193, %swap3A_194], %broadcast_in_dim3A_3 {strides = array<i32>} : memref<32x288xf32, #tpu.memory_space<vmem>>, vector<16xf32>,
      %swap3A_196 = arith.index_cast %scan3A_158 : i32 to index
      %swap3A_197 = arith.constant 192 : index
      %swap3A_198 = tpu.vector_load %arg12[%swap3A_196, %swap3A_197] {strides = array<i32>} : memref<32x288xf32, #tpu.memory_space<vmem>>, vector<16xf32>,
      tpu.vector_store %arg12[%swap3A_196, %swap3A_197], %broadcast_in_dim3A_3 {strides = array<i32>} : memref<32x288xf32, #tpu.memory_space<vmem>>, vector<16xf32>,
      %swap3A_199 = arith.index_cast %scan3A_158 : i32 to index
      %swap3A_200 = arith.constant 208 : index
      %swap3A_201 = tpu.vector_load %arg12[%swap3A_199, %swap3A_200] {strides = array<i32>} : memref<32x288xf32, #tpu.memory_space<vmem>>, vector<16xf32>,
      tpu.vector_store %arg12[%swap3A_199, %swap3A_200], %broadcast_in_dim3A_3 {strides = array<i32>} : memref<32x288xf32, #tpu.memory_space<vmem>>, vector<16xf32>,
      %swap3A_202 = arith.index_cast %scan3A_158 : i32 to index
      %swap3A_203 = arith.constant 224 : index
      %swap3A_204 = tpu.vector_load %arg12[%swap3A_202, %swap3A_203] {strides = array<i32>} : memref<32x288xf32, #tpu.memory_space<vmem>>, vector<16xf32>,
      tpu.vector_store %arg12[%swap3A_202, %swap3A_203], %broadcast_in_dim3A_3 {strides = array<i32>} : memref<32x288xf32, #tpu.memory_space<vmem>>, vector<16xf32>,
      %swap3A_205 = arith.index_cast %scan3A_158 : i32 to index
      %swap3A_206 = arith.constant 240 : index
      %swap3A_207 = tpu.vector_load %arg12[%swap3A_205, %swap3A_206] {strides = array<i32>} : memref<32x288xf32, #tpu.memory_space<vmem>>, vector<16xf32>,
      tpu.vector_store %arg12[%swap3A_205, %swap3A_206], %broadcast_in_dim3A_3 {strides = array<i32>} : memref<32x288xf32, #tpu.memory_space<vmem>>, vector<16xf32>,
      %swap3A_208 = arith.index_cast %scan3A_158 : i32 to index
      %swap3A_209 = arith.constant 256 : index
      %swap3A_210 = tpu.vector_load %arg12[%swap3A_208, %swap3A_209] {strides = array<i32>} : memref<32x288xf32, #tpu.memory_space<vmem>>, vector<16xf32>,
      tpu.vector_store %arg12[%swap3A_208, %swap3A_209], %broadcast_in_dim3A_3 {strides = array<i32>} : memref<32x288xf32, #tpu.memory_space<vmem>>, vector<16xf32>,
      %swap3A_211 = arith.index_cast %scan3A_158 : i32 to index
      %swap3A_212 = arith.constant 272 : index
      %swap3A_213 = tpu.vector_load %arg12[%swap3A_211, %swap3A_212] {strides = array<i32>} : memref<32x288xf32, #tpu.memory_space<vmem>>, vector<16xf32>,
      tpu.vector_store %arg12[%swap3A_211, %swap3A_212], %broadcast_in_dim3A_3 {strides = array<i32>} : memref<32x288xf32, #tpu.memory_space<vmem>>, vector<16xf32>,
      %scan3A_214 = arith.constant 0 : i32
      scf.yield %scan3A_214 : i32
    }
    %scan3A_9 = arith.constant 32 : i32
    %mul3A_10 = arith.constant 10 : i32
    %mul3A_11 = arith.muli %arg1, %mul3A_10 : i32
    %add3A = arith.constant 0 : i32
    %add3A_12 = arith.addi %mul3A_11, %add3A : i32
    %mul3A_13 = arith.constant 32 : i32
    %mul3A_14 = arith.muli %add3A_12, %mul3A_13 : i32
    "tpu.region"() ({
      %run_scoped3A = tpu.sem_alloc : memref<!tpu.dma_semaphore, #tpu.memory_space<semaphore_mem>>
      %dma_start3A_158 = arith.constant 0 : i32
      %dma_start3A_159 = arith.constant 0 : i32
      %dma_start3A_160 = tpu.memref_slice %arg12[%dma_start3A_158, %dma_start3A_159] : memref<32x288xf32, #tpu.memory_space<vmem>> -> memref<32x288xf32, #tpu.memory_space<vmem>>
      %dma_start3A_161 = arith.constant 0 : i32
      %dma_start3A_162 = tpu.memref_slice %arg20[%mul3A_14, %dma_start3A_161] : memref<5120x288xf32, #tpu.memory_space<vmem_shared>> -> memref<32x288xf32, #tpu.memory_space<vmem_shared>>
      %dma_start3A_163 = arith.constant 0 : i32
      %dma_start3A_164 = tpu.memref_slice %arg20[%mul3A_14, %dma_start3A_163] : memref<5120x288xf32, #tpu.memory_space<vmem_shared>> -> memref<32x288xf32, #tpu.memory_space<vmem_shared>>
      %dma_start3A_165 = arith.constant 0 : i32
      %dma_start3A_166 = arith.constant 0 : i32
      %dma_start3A_167 = tpu.memref_slice %arg12[%dma_start3A_165, %dma_start3A_166] : memref<32x288xf32, #tpu.memory_space<vmem>> -> memref<32x288xf32, #tpu.memory_space<vmem>>
      tpu.enqueue_dma source(%dma_start3A_167 : memref<32x288xf32, #tpu.memory_space<vmem>>) target(%dma_start3A_164 : memref<32x288xf32, #tpu.memory_space<vmem_shared>>) target_semaphore(%run_scoped3A : memref<!tpu.dma_semaphore, #tpu.memory_space<semaphore_mem>>)
      %dma_wait3A = arith.constant 0 : i32
      %dma_wait3A_168 = arith.constant 0 : i32
      %dma_wait3A_169 = tpu.memref_slice %arg12[%dma_wait3A, %dma_wait3A_168] : memref<32x288xf32, #tpu.memory_space<vmem>> -> memref<32x288xf32, #tpu.memory_space<vmem>>
      %dma_wait3A_170 = arith.constant 0 : i32
      %dma_wait3A_171 = tpu.memref_slice %arg20[%mul3A_14, %dma_wait3A_170] : memref<5120x288xf32, #tpu.memory_space<vmem_shared>> -> memref<32x288xf32, #tpu.memory_space<vmem_shared>>
      %dma_wait3A_172 = arith.constant 0 : i32
      %dma_wait3A_173 = tpu.memref_slice %arg20[%mul3A_14, %dma_wait3A_172] : memref<5120x288xf32, #tpu.memory_space<vmem_shared>> -> memref<32x288xf32, #tpu.memory_space<vmem_shared>>
      %dma_wait3A_174 = arith.constant 0 : i32
      %dma_wait3A_175 = arith.constant 0 : i32
      %dma_wait3A_176 = tpu.memref_slice %arg12[%dma_wait3A_174, %dma_wait3A_175] : memref<32x288xf32, #tpu.memory_space<vmem>> -> memref<32x288xf32, #tpu.memory_space<vmem>>
      tpu.wait_dma2 semaphore(%run_scoped3A : memref<!tpu.dma_semaphore, #tpu.memory_space<semaphore_mem>>) src(%dma_wait3A_176 : memref<32x288xf32, #tpu.memory_space<vmem>>) dst(%dma_wait3A_173 : memref<32x288xf32, #tpu.memory_space<vmem_shared>>)
      tpu.yield
    }) : () -> ()
    %mul3A_15 = arith.constant 10 : i32
    %mul3A_16 = arith.muli %arg1, %mul3A_15 : i32
    %add3A_17 = arith.constant 1 : i32
    %add3A_18 = arith.addi %mul3A_16, %add3A_17 : i32
    %mul3A_19 = arith.constant 32 : i32
    %mul3A_20 = arith.muli %add3A_18, %mul3A_19 : i32
    "tpu.region"() ({
      %run_scoped3A = tpu.sem_alloc : memref<!tpu.dma_semaphore, #tpu.memory_space<semaphore_mem>>
      %dma_start3A_158 = arith.constant 0 : i32
      %dma_start3A_159 = arith.constant 0 : i32
      %dma_start3A_160 = tpu.memref_slice %arg12[%dma_start3A_158, %dma_start3A_159] : memref<32x288xf32, #tpu.memory_space<vmem>> -> memref<32x288xf32, #tpu.memory_space<vmem>>
      %dma_start3A_161 = arith.constant 0 : i32
      %dma_start3A_162 = tpu.memref_slice %arg20[%mul3A_20, %dma_start3A_161] : memref<5120x288xf32, #tpu.memory_space<vmem_shared>> -> memref<32x288xf32, #tpu.memory_space<vmem_shared>>
      %dma_start3A_163 = arith.constant 0 : i32
      %dma_start3A_164 = tpu.memref_slice %arg20[%mul3A_20, %dma_start3A_163] : memref<5120x288xf32, #tpu.memory_space<vmem_shared>> -> memref<32x288xf32, #tpu.memory_space<vmem_shared>>
      %dma_start3A_165 = arith.constant 0 : i32
      %dma_start3A_166 = arith.constant 0 : i32
      %dma_start3A_167 = tpu.memref_slice %arg12[%dma_start3A_165, %dma_start3A_166] : memref<32x288xf32, #tpu.memory_space<vmem>> -> memref<32x288xf32, #tpu.memory_space<vmem>>
      tpu.enqueue_dma source(%dma_start3A_167 : memref<32x288xf32, #tpu.memory_space<vmem>>) target(%dma_start3A_164 : memref<32x288xf32, #tpu.memory_space<vmem_shared>>) target_semaphore(%run_scoped3A : memref<!tpu.dma_semaphore, #tpu.memory_space<semaphore_mem>>)
      %dma_wait3A = arith.constant 0 : i32
      %dma_wait3A_168 = arith.constant 0 : i32
      %dma_wait3A_169 = tpu.memref_slice %arg12[%dma_wait3A, %dma_wait3A_168] : memref<32x288xf32, #tpu.memory_space<vmem>> -> memref<32x288xf32, #tpu.memory_space<vmem>>
      %dma_wait3A_170 = arith.constant 0 : i32
      %dma_wait3A_171 = tpu.memref_slice %arg20[%mul3A_20, %dma_wait3A_170] : memref<5120x288xf32, #tpu.memory_space<vmem_shared>> -> memref<32x288xf32, #tpu.memory_space<vmem_shared>>
      %dma_wait3A_172 = arith.constant 0 : i32
      %dma_wait3A_173 = tpu.memref_slice %arg20[%mul3A_20, %dma_wait3A_172] : memref<5120x288xf32, #tpu.memory_space<vmem_shared>> -> memref<32x288xf32, #tpu.memory_space<vmem_shared>>
      %dma_wait3A_174 = arith.constant 0 : i32
      %dma_wait3A_175 = arith.constant 0 : i32
      %dma_wait3A_176 = tpu.memref_slice %arg12[%dma_wait3A_174, %dma_wait3A_175] : memref<32x288xf32, #tpu.memory_space<vmem>> -> memref<32x288xf32, #tpu.memory_space<vmem>>
      tpu.wait_dma2 semaphore(%run_scoped3A : memref<!tpu.dma_semaphore, #tpu.memory_space<semaphore_mem>>) src(%dma_wait3A_176 : memref<32x288xf32, #tpu.memory_space<vmem>>) dst(%dma_wait3A_173 : memref<32x288xf32, #tpu.memory_space<vmem_shared>>)
      tpu.yield
    }) : () -> ()
    %mul3A_21 = arith.constant 10 : i32
    %mul3A_22 = arith.muli %arg1, %mul3A_21 : i32
    %add3A_23 = arith.constant 2 : i32
    %add3A_24 = arith.addi %mul3A_22, %add3A_23 : i32
    %mul3A_25 = arith.constant 32 : i32
    %mul3A_26 = arith.muli %add3A_24, %mul3A_25 : i32
    "tpu.region"() ({
      %run_scoped3A = tpu.sem_alloc : memref<!tpu.dma_semaphore, #tpu.memory_space<semaphore_mem>>
      %dma_start3A_158 = arith.constant 0 : i32
      %dma_start3A_159 = arith.constant 0 : i32
      %dma_start3A_160 = tpu.memref_slice %arg12[%dma_start3A_158, %dma_start3A_159] : memref<32x288xf32, #tpu.memory_space<vmem>> -> memref<32x288xf32, #tpu.memory_space<vmem>>
      %dma_start3A_161 = arith.constant 0 : i32
      %dma_start3A_162 = tpu.memref_slice %arg20[%mul3A_26, %dma_start3A_161] : memref<5120x288xf32, #tpu.memory_space<vmem_shared>> -> memref<32x288xf32, #tpu.memory_space<vmem_shared>>
      %dma_start3A_163 = arith.constant 0 : i32
      %dma_start3A_164 = tpu.memref_slice %arg20[%mul3A_26, %dma_start3A_163] : memref<5120x288xf32, #tpu.memory_space<vmem_shared>> -> memref<32x288xf32, #tpu.memory_space<vmem_shared>>
      %dma_start3A_165 = arith.constant 0 : i32
      %dma_start3A_166 = arith.constant 0 : i32
      %dma_start3A_167 = tpu.memref_slice %arg12[%dma_start3A_165, %dma_start3A_166] : memref<32x288xf32, #tpu.memory_space<vmem>> -> memref<32x288xf32, #tpu.memory_space<vmem>>
      tpu.enqueue_dma source(%dma_start3A_167 : memref<32x288xf32, #tpu.memory_space<vmem>>) target(%dma_start3A_164 : memref<32x288xf32, #tpu.memory_space<vmem_shared>>) target_semaphore(%run_scoped3A : memref<!tpu.dma_semaphore, #tpu.memory_space<semaphore_mem>>)
      %dma_wait3A = arith.constant 0 : i32
      %dma_wait3A_168 = arith.constant 0 : i32
      %dma_wait3A_169 = tpu.memref_slice %arg12[%dma_wait3A, %dma_wait3A_168] : memref<32x288xf32, #tpu.memory_space<vmem>> -> memref<32x288xf32, #tpu.memory_space<vmem>>
      %dma_wait3A_170 = arith.constant 0 : i32
      %dma_wait3A_171 = tpu.memref_slice %arg20[%mul3A_26, %dma_wait3A_170] : memref<5120x288xf32, #tpu.memory_space<vmem_shared>> -> memref<32x288xf32, #tpu.memory_space<vmem_shared>>
      %dma_wait3A_172 = arith.constant 0 : i32
      %dma_wait3A_173 = tpu.memref_slice %arg20[%mul3A_26, %dma_wait3A_172] : memref<5120x288xf32, #tpu.memory_space<vmem_shared>> -> memref<32x288xf32, #tpu.memory_space<vmem_shared>>
      %dma_wait3A_174 = arith.constant 0 : i32
      %dma_wait3A_175 = arith.constant 0 : i32
      %dma_wait3A_176 = tpu.memref_slice %arg12[%dma_wait3A_174, %dma_wait3A_175] : memref<32x288xf32, #tpu.memory_space<vmem>> -> memref<32x288xf32, #tpu.memory_space<vmem>>
      tpu.wait_dma2 semaphore(%run_scoped3A : memref<!tpu.dma_semaphore, #tpu.memory_space<semaphore_mem>>) src(%dma_wait3A_176 : memref<32x288xf32, #tpu.memory_space<vmem>>) dst(%dma_wait3A_173 : memref<32x288xf32, #tpu.memory_space<vmem_shared>>)
      tpu.yield
    }) : () -> ()
    %mul3A_27 = arith.constant 10 : i32
    %mul3A_28 = arith.muli %arg1, %mul3A_27 : i32
    %add3A_29 = arith.constant 3 : i32
    %add3A_30 = arith.addi %mul3A_28, %add3A_29 : i32
    %mul3A_31 = arith.constant 32 : i32
    %mul3A_32 = arith.muli %add3A_30, %mul3A_31 : i32
    "tpu.region"() ({
      %run_scoped3A = tpu.sem_alloc : memref<!tpu.dma_semaphore, #tpu.memory_space<semaphore_mem>>
      %dma_start3A_158 = arith.constant 0 : i32
      %dma_start3A_159 = arith.constant 0 : i32
      %dma_start3A_160 = tpu.memref_slice %arg12[%dma_start3A_158, %dma_start3A_159] : memref<32x288xf32, #tpu.memory_space<vmem>> -> memref<32x288xf32, #tpu.memory_space<vmem>>
      %dma_start3A_161 = arith.constant 0 : i32
      %dma_start3A_162 = tpu.memref_slice %arg20[%mul3A_32, %dma_start3A_161] : memref<5120x288xf32, #tpu.memory_space<vmem_shared>> -> memref<32x288xf32, #tpu.memory_space<vmem_shared>>
      %dma_start3A_163 = arith.constant 0 : i32
      %dma_start3A_164 = tpu.memref_slice %arg20[%mul3A_32, %dma_start3A_163] : memref<5120x288xf32, #tpu.memory_space<vmem_shared>> -> memref<32x288xf32, #tpu.memory_space<vmem_shared>>
      %dma_start3A_165 = arith.constant 0 : i32
      %dma_start3A_166 = arith.constant 0 : i32
      %dma_start3A_167 = tpu.memref_slice %arg12[%dma_start3A_165, %dma_start3A_166] : memref<32x288xf32, #tpu.memory_space<vmem>> -> memref<32x288xf32, #tpu.memory_space<vmem>>
      tpu.enqueue_dma source(%dma_start3A_167 : memref<32x288xf32, #tpu.memory_space<vmem>>) target(%dma_start3A_164 : memref<32x288xf32, #tpu.memory_space<vmem_shared>>) target_semaphore(%run_scoped3A : memref<!tpu.dma_semaphore, #tpu.memory_space<semaphore_mem>>)
      %dma_wait3A = arith.constant 0 : i32
      %dma_wait3A_168 = arith.constant 0 : i32
      %dma_wait3A_169 = tpu.memref_slice %arg12[%dma_wait3A, %dma_wait3A_168] : memref<32x288xf32, #tpu.memory_space<vmem>> -> memref<32x288xf32, #tpu.memory_space<vmem>>
      %dma_wait3A_170 = arith.constant 0 : i32
      %dma_wait3A_171 = tpu.memref_slice %arg20[%mul3A_32, %dma_wait3A_170] : memref<5120x288xf32, #tpu.memory_space<vmem_shared>> -> memref<32x288xf32, #tpu.memory_space<vmem_shared>>
      %dma_wait3A_172 = arith.constant 0 : i32
      %dma_wait3A_173 = tpu.memref_slice %arg20[%mul3A_32, %dma_wait3A_172] : memref<5120x288xf32, #tpu.memory_space<vmem_shared>> -> memref<32x288xf32, #tpu.memory_space<vmem_shared>>
      %dma_wait3A_174 = arith.constant 0 : i32
      %dma_wait3A_175 = arith.constant 0 : i32
      %dma_wait3A_176 = tpu.memref_slice %arg12[%dma_wait3A_174, %dma_wait3A_175] : memref<32x288xf32, #tpu.memory_space<vmem>> -> memref<32x288xf32, #tpu.memory_space<vmem>>
      tpu.wait_dma2 semaphore(%run_scoped3A : memref<!tpu.dma_semaphore, #tpu.memory_space<semaphore_mem>>) src(%dma_wait3A_176 : memref<32x288xf32, #tpu.memory_space<vmem>>) dst(%dma_wait3A_173 : memref<32x288xf32, #tpu.memory_space<vmem_shared>>)
      tpu.yield
    }) : () -> ()
    %mul3A_33 = arith.constant 10 : i32
    %mul3A_34 = arith.muli %arg1, %mul3A_33 : i32
    %add3A_35 = arith.constant 4 : i32
    %add3A_36 = arith.addi %mul3A_34, %add3A_35 : i32
    %mul3A_37 = arith.constant 32 : i32
    %mul3A_38 = arith.muli %add3A_36, %mul3A_37 : i32
    "tpu.region"() ({
      %run_scoped3A = tpu.sem_alloc : memref<!tpu.dma_semaphore, #tpu.memory_space<semaphore_mem>>
      %dma_start3A_158 = arith.constant 0 : i32
      %dma_start3A_159 = arith.constant 0 : i32
      %dma_start3A_160 = tpu.memref_slice %arg12[%dma_start3A_158, %dma_start3A_159] : memref<32x288xf32, #tpu.memory_space<vmem>> -> memref<32x288xf32, #tpu.memory_space<vmem>>
      %dma_start3A_161 = arith.constant 0 : i32
      %dma_start3A_162 = tpu.memref_slice %arg20[%mul3A_38, %dma_start3A_161] : memref<5120x288xf32, #tpu.memory_space<vmem_shared>> -> memref<32x288xf32, #tpu.memory_space<vmem_shared>>
      %dma_start3A_163 = arith.constant 0 : i32
      %dma_start3A_164 = tpu.memref_slice %arg20[%mul3A_38, %dma_start3A_163] : memref<5120x288xf32, #tpu.memory_space<vmem_shared>> -> memref<32x288xf32, #tpu.memory_space<vmem_shared>>
      %dma_start3A_165 = arith.constant 0 : i32
      %dma_start3A_166 = arith.constant 0 : i32
      %dma_start3A_167 = tpu.memref_slice %arg12[%dma_start3A_165, %dma_start3A_166] : memref<32x288xf32, #tpu.memory_space<vmem>> -> memref<32x288xf32, #tpu.memory_space<vmem>>
      tpu.enqueue_dma source(%dma_start3A_167 : memref<32x288xf32, #tpu.memory_space<vmem>>) target(%dma_start3A_164 : memref<32x288xf32, #tpu.memory_space<vmem_shared>>) target_semaphore(%run_scoped3A : memref<!tpu.dma_semaphore, #tpu.memory_space<semaphore_mem>>)
      %dma_wait3A = arith.constant 0 : i32
      %dma_wait3A_168 = arith.constant 0 : i32
      %dma_wait3A_169 = tpu.memref_slice %arg12[%dma_wait3A, %dma_wait3A_168] : memref<32x288xf32, #tpu.memory_space<vmem>> -> memref<32x288xf32, #tpu.memory_space<vmem>>
      %dma_wait3A_170 = arith.constant 0 : i32
      %dma_wait3A_171 = tpu.memref_slice %arg20[%mul3A_38, %dma_wait3A_170] : memref<5120x288xf32, #tpu.memory_space<vmem_shared>> -> memref<32x288xf32, #tpu.memory_space<vmem_shared>>
      %dma_wait3A_172 = arith.constant 0 : i32
      %dma_wait3A_173 = tpu.memref_slice %arg20[%mul3A_38, %dma_wait3A_172] : memref<5120x288xf32, #tpu.memory_space<vmem_shared>> -> memref<32x288xf32, #tpu.memory_space<vmem_shared>>
      %dma_wait3A_174 = arith.constant 0 : i32
      %dma_wait3A_175 = arith.constant 0 : i32
      %dma_wait3A_176 = tpu.memref_slice %arg12[%dma_wait3A_174, %dma_wait3A_175] : memref<32x288xf32, #tpu.memory_space<vmem>> -> memref<32x288xf32, #tpu.memory_space<vmem>>
      tpu.wait_dma2 semaphore(%run_scoped3A : memref<!tpu.dma_semaphore, #tpu.memory_space<semaphore_mem>>) src(%dma_wait3A_176 : memref<32x288xf32, #tpu.memory_space<vmem>>) dst(%dma_wait3A_173 : memref<32x288xf32, #tpu.memory_space<vmem_shared>>)
      tpu.yield
    }) : () -> ()
    %mul3A_39 = arith.constant 10 : i32
    %mul3A_40 = arith.muli %arg1, %mul3A_39 : i32
    %add3A_41 = arith.constant 5 : i32
    %add3A_42 = arith.addi %mul3A_40, %add3A_41 : i32
    %mul3A_43 = arith.constant 32 : i32
    %mul3A_44 = arith.muli %add3A_42, %mul3A_43 : i32
    "tpu.region"() ({
      %run_scoped3A = tpu.sem_alloc : memref<!tpu.dma_semaphore, #tpu.memory_space<semaphore_mem>>
      %dma_start3A_158 = arith.constant 0 : i32
      %dma_start3A_159 = arith.constant 0 : i32
      %dma_start3A_160 = tpu.memref_slice %arg12[%dma_start3A_158, %dma_start3A_159] : memref<32x288xf32, #tpu.memory_space<vmem>> -> memref<32x288xf32, #tpu.memory_space<vmem>>
      %dma_start3A_161 = arith.constant 0 : i32
      %dma_start3A_162 = tpu.memref_slice %arg20[%mul3A_44, %dma_start3A_161] : memref<5120x288xf32, #tpu.memory_space<vmem_shared>> -> memref<32x288xf32, #tpu.memory_space<vmem_shared>>
      %dma_start3A_163 = arith.constant 0 : i32
      %dma_start3A_164 = tpu.memref_slice %arg20[%mul3A_44, %dma_start3A_163] : memref<5120x288xf32, #tpu.memory_space<vmem_shared>> -> memref<32x288xf32, #tpu.memory_space<vmem_shared>>
      %dma_start3A_165 = arith.constant 0 : i32
      %dma_start3A_166 = arith.constant 0 : i32
      %dma_start3A_167 = tpu.memref_slice %arg12[%dma_start3A_165, %dma_start3A_166] : memref<32x288xf32, #tpu.memory_space<vmem>> -> memref<32x288xf32, #tpu.memory_space<vmem>>
      tpu.enqueue_dma source(%dma_start3A_167 : memref<32x288xf32, #tpu.memory_space<vmem>>) target(%dma_start3A_164 : memref<32x288xf32, #tpu.memory_space<vmem_shared>>) target_semaphore(%run_scoped3A : memref<!tpu.dma_semaphore, #tpu.memory_space<semaphore_mem>>)
      %dma_wait3A = arith.constant 0 : i32
      %dma_wait3A_168 = arith.constant 0 : i32
      %dma_wait3A_169 = tpu.memref_slice %arg12[%dma_wait3A, %dma_wait3A_168] : memref<32x288xf32, #tpu.memory_space<vmem>> -> memref<32x288xf32, #tpu.memory_space<vmem>>
      %dma_wait3A_170 = arith.constant 0 : i32
      %dma_wait3A_171 = tpu.memref_slice %arg20[%mul3A_44, %dma_wait3A_170] : memref<5120x288xf32, #tpu.memory_space<vmem_shared>> -> memref<32x288xf32, #tpu.memory_space<vmem_shared>>
      %dma_wait3A_172 = arith.constant 0 : i32
      %dma_wait3A_173 = tpu.memref_slice %arg20[%mul3A_44, %dma_wait3A_172] : memref<5120x288xf32, #tpu.memory_space<vmem_shared>> -> memref<32x288xf32, #tpu.memory_space<vmem_shared>>
      %dma_wait3A_174 = arith.constant 0 : i32
      %dma_wait3A_175 = arith.constant 0 : i32
      %dma_wait3A_176 = tpu.memref_slice %arg12[%dma_wait3A_174, %dma_wait3A_175] : memref<32x288xf32, #tpu.memory_space<vmem>> -> memref<32x288xf32, #tpu.memory_space<vmem>>
      tpu.wait_dma2 semaphore(%run_scoped3A : memref<!tpu.dma_semaphore, #tpu.memory_space<semaphore_mem>>) src(%dma_wait3A_176 : memref<32x288xf32, #tpu.memory_space<vmem>>) dst(%dma_wait3A_173 : memref<32x288xf32, #tpu.memory_space<vmem_shared>>)
      tpu.yield
    }) : () -> ()
    %mul3A_45 = arith.constant 10 : i32
    %mul3A_46 = arith.muli %arg1, %mul3A_45 : i32
    %add3A_47 = arith.constant 6 : i32
    %add3A_48 = arith.addi %mul3A_46, %add3A_47 : i32
    %mul3A_49 = arith.constant 32 : i32
    %mul3A_50 = arith.muli %add3A_48, %mul3A_49 : i32
    "tpu.region"() ({
      %run_scoped3A = tpu.sem_alloc : memref<!tpu.dma_semaphore, #tpu.memory_space<semaphore_mem>>
      %dma_start3A_158 = arith.constant 0 : i32
      %dma_start3A_159 = arith.constant 0 : i32
      %dma_start3A_160 = tpu.memref_slice %arg12[%dma_start3A_158, %dma_start3A_159] : memref<32x288xf32, #tpu.memory_space<vmem>> -> memref<32x288xf32, #tpu.memory_space<vmem>>
      %dma_start3A_161 = arith.constant 0 : i32
      %dma_start3A_162 = tpu.memref_slice %arg20[%mul3A_50, %dma_start3A_161] : memref<5120x288xf32, #tpu.memory_space<vmem_shared>> -> memref<32x288xf32, #tpu.memory_space<vmem_shared>>
      %dma_start3A_163 = arith.constant 0 : i32
      %dma_start3A_164 = tpu.memref_slice %arg20[%mul3A_50, %dma_start3A_163] : memref<5120x288xf32, #tpu.memory_space<vmem_shared>> -> memref<32x288xf32, #tpu.memory_space<vmem_shared>>
      %dma_start3A_165 = arith.constant 0 : i32
      %dma_start3A_166 = arith.constant 0 : i32
      %dma_start3A_167 = tpu.memref_slice %arg12[%dma_start3A_165, %dma_start3A_166] : memref<32x288xf32, #tpu.memory_space<vmem>> -> memref<32x288xf32, #tpu.memory_space<vmem>>
      tpu.enqueue_dma source(%dma_start3A_167 : memref<32x288xf32, #tpu.memory_space<vmem>>) target(%dma_start3A_164 : memref<32x288xf32, #tpu.memory_space<vmem_shared>>) target_semaphore(%run_scoped3A : memref<!tpu.dma_semaphore, #tpu.memory_space<semaphore_mem>>)
      %dma_wait3A = arith.constant 0 : i32
      %dma_wait3A_168 = arith.constant 0 : i32
      %dma_wait3A_169 = tpu.memref_slice %arg12[%dma_wait3A, %dma_wait3A_168] : memref<32x288xf32, #tpu.memory_space<vmem>> -> memref<32x288xf32, #tpu.memory_space<vmem>>
      %dma_wait3A_170 = arith.constant 0 : i32
      %dma_wait3A_171 = tpu.memref_slice %arg20[%mul3A_50, %dma_wait3A_170] : memref<5120x288xf32, #tpu.memory_space<vmem_shared>> -> memref<32x288xf32, #tpu.memory_space<vmem_shared>>
      %dma_wait3A_172 = arith.constant 0 : i32
      %dma_wait3A_173 = tpu.memref_slice %arg20[%mul3A_50, %dma_wait3A_172] : memref<5120x288xf32, #tpu.memory_space<vmem_shared>> -> memref<32x288xf32, #tpu.memory_space<vmem_shared>>
      %dma_wait3A_174 = arith.constant 0 : i32
      %dma_wait3A_175 = arith.constant 0 : i32
      %dma_wait3A_176 = tpu.memref_slice %arg12[%dma_wait3A_174, %dma_wait3A_175] : memref<32x288xf32, #tpu.memory_space<vmem>> -> memref<32x288xf32, #tpu.memory_space<vmem>>
      tpu.wait_dma2 semaphore(%run_scoped3A : memref<!tpu.dma_semaphore, #tpu.memory_space<semaphore_mem>>) src(%dma_wait3A_176 : memref<32x288xf32, #tpu.memory_space<vmem>>) dst(%dma_wait3A_173 : memref<32x288xf32, #tpu.memory_space<vmem_shared>>)
      tpu.yield
    }) : () -> ()
    %mul3A_51 = arith.constant 10 : i32
    %mul3A_52 = arith.muli %arg1, %mul3A_51 : i32
    %add3A_53 = arith.constant 7 : i32
    %add3A_54 = arith.addi %mul3A_52, %add3A_53 : i32
    %mul3A_55 = arith.constant 32 : i32
    %mul3A_56 = arith.muli %add3A_54, %mul3A_55 : i32
    "tpu.region"() ({
      %run_scoped3A = tpu.sem_alloc : memref<!tpu.dma_semaphore, #tpu.memory_space<semaphore_mem>>
      %dma_start3A_158 = arith.constant 0 : i32
      %dma_start3A_159 = arith.constant 0 : i32
      %dma_start3A_160 = tpu.memref_slice %arg12[%dma_start3A_158, %dma_start3A_159] : memref<32x288xf32, #tpu.memory_space<vmem>> -> memref<32x288xf32, #tpu.memory_space<vmem>>
      %dma_start3A_161 = arith.constant 0 : i32
      %dma_start3A_162 = tpu.memref_slice %arg20[%mul3A_56, %dma_start3A_161] : memref<5120x288xf32, #tpu.memory_space<vmem_shared>> -> memref<32x288xf32, #tpu.memory_space<vmem_shared>>
      %dma_start3A_163 = arith.constant 0 : i32
      %dma_start3A_164 = tpu.memref_slice %arg20[%mul3A_56, %dma_start3A_163] : memref<5120x288xf32, #tpu.memory_space<vmem_shared>> -> memref<32x288xf32, #tpu.memory_space<vmem_shared>>
      %dma_start3A_165 = arith.constant 0 : i32
      %dma_start3A_166 = arith.constant 0 : i32
      %dma_start3A_167 = tpu.memref_slice %arg12[%dma_start3A_165, %dma_start3A_166] : memref<32x288xf32, #tpu.memory_space<vmem>> -> memref<32x288xf32, #tpu.memory_space<vmem>>
      tpu.enqueue_dma source(%dma_start3A_167 : memref<32x288xf32, #tpu.memory_space<vmem>>) target(%dma_start3A_164 : memref<32x288xf32, #tpu.memory_space<vmem_shared>>) target_semaphore(%run_scoped3A : memref<!tpu.dma_semaphore, #tpu.memory_space<semaphore_mem>>)
      %dma_wait3A = arith.constant 0 : i32
      %dma_wait3A_168 = arith.constant 0 : i32
      %dma_wait3A_169 = tpu.memref_slice %arg12[%dma_wait3A, %dma_wait3A_168] : memref<32x288xf32, #tpu.memory_space<vmem>> -> memref<32x288xf32, #tpu.memory_space<vmem>>
      %dma_wait3A_170 = arith.constant 0 : i32
      %dma_wait3A_171 = tpu.memref_slice %arg20[%mul3A_56, %dma_wait3A_170] : memref<5120x288xf32, #tpu.memory_space<vmem_shared>> -> memref<32x288xf32, #tpu.memory_space<vmem_shared>>
      %dma_wait3A_172 = arith.constant 0 : i32
      %dma_wait3A_173 = tpu.memref_slice %arg20[%mul3A_56, %dma_wait3A_172] : memref<5120x288xf32, #tpu.memory_space<vmem_shared>> -> memref<32x288xf32, #tpu.memory_space<vmem_shared>>
      %dma_wait3A_174 = arith.constant 0 : i32
      %dma_wait3A_175 = arith.constant 0 : i32
      %dma_wait3A_176 = tpu.memref_slice %arg12[%dma_wait3A_174, %dma_wait3A_175] : memref<32x288xf32, #tpu.memory_space<vmem>> -> memref<32x288xf32, #tpu.memory_space<vmem>>
      tpu.wait_dma2 semaphore(%run_scoped3A : memref<!tpu.dma_semaphore, #tpu.memory_space<semaphore_mem>>) src(%dma_wait3A_176 : memref<32x288xf32, #tpu.memory_space<vmem>>) dst(%dma_wait3A_173 : memref<32x288xf32, #tpu.memory_space<vmem_shared>>)
      tpu.yield
    }) : () -> ()
    %mul3A_57 = arith.constant 10 : i32
    %mul3A_58 = arith.muli %arg1, %mul3A_57 : i32
    %add3A_59 = arith.constant 8 : i32
    %add3A_60 = arith.addi %mul3A_58, %add3A_59 : i32
    %mul3A_61 = arith.constant 32 : i32
    %mul3A_62 = arith.muli %add3A_60, %mul3A_61 : i32
    "tpu.region"() ({
      %run_scoped3A = tpu.sem_alloc : memref<!tpu.dma_semaphore, #tpu.memory_space<semaphore_mem>>
      %dma_start3A_158 = arith.constant 0 : i32
      %dma_start3A_159 = arith.constant 0 : i32
      %dma_start3A_160 = tpu.memref_slice %arg12[%dma_start3A_158, %dma_start3A_159] : memref<32x288xf32, #tpu.memory_space<vmem>> -> memref<32x288xf32, #tpu.memory_space<vmem>>
      %dma_start3A_161 = arith.constant 0 : i32
      %dma_start3A_162 = tpu.memref_slice %arg20[%mul3A_62, %dma_start3A_161] : memref<5120x288xf32, #tpu.memory_space<vmem_shared>> -> memref<32x288xf32, #tpu.memory_space<vmem_shared>>
      %dma_start3A_163 = arith.constant 0 : i32
      %dma_start3A_164 = tpu.memref_slice %arg20[%mul3A_62, %dma_start3A_163] : memref<5120x288xf32, #tpu.memory_space<vmem_shared>> -> memref<32x288xf32, #tpu.memory_space<vmem_shared>>
      %dma_start3A_165 = arith.constant 0 : i32
      %dma_start3A_166 = arith.constant 0 : i32
      %dma_start3A_167 = tpu.memref_slice %arg12[%dma_start3A_165, %dma_start3A_166] : memref<32x288xf32, #tpu.memory_space<vmem>> -> memref<32x288xf32, #tpu.memory_space<vmem>>
      tpu.enqueue_dma source(%dma_start3A_167 : memref<32x288xf32, #tpu.memory_space<vmem>>) target(%dma_start3A_164 : memref<32x288xf32, #tpu.memory_space<vmem_shared>>) target_semaphore(%run_scoped3A : memref<!tpu.dma_semaphore, #tpu.memory_space<semaphore_mem>>)
      %dma_wait3A = arith.constant 0 : i32
      %dma_wait3A_168 = arith.constant 0 : i32
      %dma_wait3A_169 = tpu.memref_slice %arg12[%dma_wait3A, %dma_wait3A_168] : memref<32x288xf32, #tpu.memory_space<vmem>> -> memref<32x288xf32, #tpu.memory_space<vmem>>
      %dma_wait3A_170 = arith.constant 0 : i32
      %dma_wait3A_171 = tpu.memref_slice %arg20[%mul3A_62, %dma_wait3A_170] : memref<5120x288xf32, #tpu.memory_space<vmem_shared>> -> memref<32x288xf32, #tpu.memory_space<vmem_shared>>
      %dma_wait3A_172 = arith.constant 0 : i32
      %dma_wait3A_173 = tpu.memref_slice %arg20[%mul3A_62, %dma_wait3A_172] : memref<5120x288xf32, #tpu.memory_space<vmem_shared>> -> memref<32x288xf32, #tpu.memory_space<vmem_shared>>
      %dma_wait3A_174 = arith.constant 0 : i32
      %dma_wait3A_175 = arith.constant 0 : i32
      %dma_wait3A_176 = tpu.memref_slice %arg12[%dma_wait3A_174, %dma_wait3A_175] : memref<32x288xf32, #tpu.memory_space<vmem>> -> memref<32x288xf32, #tpu.memory_space<vmem>>
      tpu.wait_dma2 semaphore(%run_scoped3A : memref<!tpu.dma_semaphore, #tpu.memory_space<semaphore_mem>>) src(%dma_wait3A_176 : memref<32x288xf32, #tpu.memory_space<vmem>>) dst(%dma_wait3A_173 : memref<32x288xf32, #tpu.memory_space<vmem_shared>>)
      tpu.yield
    }) : () -> ()
    %mul3A_63 = arith.constant 10 : i32
    %mul3A_64 = arith.muli %arg1, %mul3A_63 : i32
    %add3A_65 = arith.constant 9 : i32
    %add3A_66 = arith.addi %mul3A_64, %add3A_65 : i32
    %mul3A_67 = arith.constant 32 : i32
    %mul3A_68 = arith.muli %add3A_66, %mul3A_67 : i32
    "tpu.region"() ({
      %run_scoped3A = tpu.sem_alloc : memref<!tpu.dma_semaphore, #tpu.memory_space<semaphore_mem>>
      %dma_start3A_158 = arith.constant 0 : i32
      %dma_start3A_159 = arith.constant 0 : i32
      %dma_start3A_160 = tpu.memref_slice %arg12[%dma_start3A_158, %dma_start3A_159] : memref<32x288xf32, #tpu.memory_space<vmem>> -> memref<32x288xf32, #tpu.memory_space<vmem>>
      %dma_start3A_161 = arith.constant 0 : i32
      %dma_start3A_162 = tpu.memref_slice %arg20[%mul3A_68, %dma_start3A_161] : memref<5120x288xf32, #tpu.memory_space<vmem_shared>> -> memref<32x288xf32, #tpu.memory_space<vmem_shared>>
      %dma_start3A_163 = arith.constant 0 : i32
      %dma_start3A_164 = tpu.memref_slice %arg20[%mul3A_68, %dma_start3A_163] : memref<5120x288xf32, #tpu.memory_space<vmem_shared>> -> memref<32x288xf32, #tpu.memory_space<vmem_shared>>
      %dma_start3A_165 = arith.constant 0 : i32
      %dma_start3A_166 = arith.constant 0 : i32
      %dma_start3A_167 = tpu.memref_slice %arg12[%dma_start3A_165, %dma_start3A_166] : memref<32x288xf32, #tpu.memory_space<vmem>> -> memref<32x288xf32, #tpu.memory_space<vmem>>
      tpu.enqueue_dma source(%dma_start3A_167 : memref<32x288xf32, #tpu.memory_space<vmem>>) target(%dma_start3A_164 : memref<32x288xf32, #tpu.memory_space<vmem_shared>>) target_semaphore(%run_scoped3A : memref<!tpu.dma_semaphore, #tpu.memory_space<semaphore_mem>>)
      %dma_wait3A = arith.constant 0 : i32
      %dma_wait3A_168 = arith.constant 0 : i32
      %dma_wait3A_169 = tpu.memref_slice %arg12[%dma_wait3A, %dma_wait3A_168] : memref<32x288xf32, #tpu.memory_space<vmem>> -> memref<32x288xf32, #tpu.memory_space<vmem>>
      %dma_wait3A_170 = arith.constant 0 : i32
      %dma_wait3A_171 = tpu.memref_slice %arg20[%mul3A_68, %dma_wait3A_170] : memref<5120x288xf32, #tpu.memory_space<vmem_shared>> -> memref<32x288xf32, #tpu.memory_space<vmem_shared>>
      %dma_wait3A_172 = arith.constant 0 : i32
      %dma_wait3A_173 = tpu.memref_slice %arg20[%mul3A_68, %dma_wait3A_172] : memref<5120x288xf32, #tpu.memory_space<vmem_shared>> -> memref<32x288xf32, #tpu.memory_space<vmem_shared>>
      %dma_wait3A_174 = arith.constant 0 : i32
      %dma_wait3A_175 = arith.constant 0 : i32
      %dma_wait3A_176 = tpu.memref_slice %arg12[%dma_wait3A_174, %dma_wait3A_175] : memref<32x288xf32, #tpu.memory_space<vmem>> -> memref<32x288xf32, #tpu.memory_space<vmem>>
      tpu.wait_dma2 semaphore(%run_scoped3A : memref<!tpu.dma_semaphore, #tpu.memory_space<semaphore_mem>>) src(%dma_wait3A_176 : memref<32x288xf32, #tpu.memory_space<vmem>>) dst(%dma_wait3A_173 : memref<32x288xf32, #tpu.memory_space<vmem_shared>>)
      tpu.yield
    }) : () -> ()
    %broadcast_in_dim3A_69 = arith.constant 10008 : i32
    %broadcast_in_dim3A_70 = vector.broadcast %broadcast_in_dim3A_69 : i32 to vector<16xi32>
    %broadcast_in_dim3A_71 = arith.constant 5000 : i32
    %broadcast_in_dim3A_72 = vector.broadcast %broadcast_in_dim3A_71 : i32 to vector<16xi32>
    %iota3A = tpu.iota {dimensions = array<i32: 0>} : vector<16xi32>
    %add3A_73 = arith.addi %broadcast_in_dim3A_72, %iota3A : vector<16xi32>
    %scan3A_74 = arith.constant 0 : i32
    %scan3A_75 = arith.constant 0 : i32
    %scan3A_76 = arith.constant 356 : i32
    %scan3A_77 = arith.addi %scan3A_75, %scan3A_76 : i32
    %scan3A_78 = arith.constant 1 : i32
    %scan3A_79 = scf.for %scan3A_158 = %scan3A_75 to %scan3A_77 step %scan3A_78 iter_args(%scan3A_159 = %scan3A_74) -> (i32)  : i32 {
      %mul3A_160 = arith.constant 16 : i32
      %mul3A_161 = arith.muli %scan3A_158, %mul3A_160 : i32
      %swap3A_162 = arith.index_cast %mul3A_161 : i32 to index
      %swap3A_163 = tpu.vector_load %arg6[%swap3A_162] {strides = array<i32>} : memref<5696xi32, #tpu.memory_space<vmem>>, vector<16xi32>,
      tpu.vector_store %arg6[%swap3A_162], %broadcast_in_dim3A_70 {strides = array<i32>} : memref<5696xi32, #tpu.memory_space<vmem>>, vector<16xi32>,
      %mul3A_164 = arith.constant 16 : i32
      %mul3A_165 = arith.muli %scan3A_158, %mul3A_164 : i32
      %swap3A_166 = arith.index_cast %mul3A_165 : i32 to index
      %swap3A_167 = tpu.vector_load %arg7[%swap3A_166] {strides = array<i32>} : memref<5696xi32, #tpu.memory_space<vmem>>, vector<16xi32>,
      tpu.vector_store %arg7[%swap3A_166], %add3A_73 {strides = array<i32>} : memref<5696xi32, #tpu.memory_space<vmem>>, vector<16xi32>,
      %scan3A_168 = arith.constant 0 : i32
      scf.yield %scan3A_168 : i32
    }
    %scan3A_80 = arith.constant 356 : i32
    %add3A_81 = arith.constant 0 : i32
    %add3A_82 = arith.addi %mul3A_0, %add3A_81 : i32
    %dma_start3A = tpu.memref_slice %arg3[%add3A_82] : memref<163840xi32, #tpu.memory_space<hbm>> -> memref<512xi32, #tpu.memory_space<hbm>>
    %dma_start3A_83 = tpu.memref_slice %arg3[%add3A_82] : memref<163840xi32, #tpu.memory_space<hbm>> -> memref<512xi32, #tpu.memory_space<hbm>>
    tpu.enqueue_dma source(%dma_start3A_83 : memref<512xi32, #tpu.memory_space<hbm>>) target(%arg8 : memref<512xi32, #tpu.memory_space<vmem>>) target_semaphore(%arg18 : memref<!tpu.dma_semaphore, #tpu.memory_space<semaphore_mem>>)
    %dma_start3A_84 = tpu.memref_slice %arg4[%add3A_82] : memref<163840xi32, #tpu.memory_space<hbm>> -> memref<512xi32, #tpu.memory_space<hbm>>
    %dma_start3A_85 = tpu.memref_slice %arg4[%add3A_82] : memref<163840xi32, #tpu.memory_space<hbm>> -> memref<512xi32, #tpu.memory_space<hbm>>
    tpu.enqueue_dma source(%dma_start3A_85 : memref<512xi32, #tpu.memory_space<hbm>>) target(%arg10 : memref<512xi32, #tpu.memory_space<vmem>>) target_semaphore(%arg18 : memref<!tpu.dma_semaphore, #tpu.memory_space<semaphore_mem>>)
    %scan3A_86 = arith.constant 0 : i32
    %scan3A_87 = arith.constant 0 : i32
    %scan3A_88 = arith.constant 10 : i32
    %scan3A_89 = arith.addi %scan3A_87, %scan3A_88 : i32
    %scan3A_90 = arith.constant 1 : i32
    %scan3A_91 = scf.for %scan3A_158 = %scan3A_87 to %scan3A_89 step %scan3A_90 iter_args(%scan3A_159 = %scan3A_86) -> (i32)  : i32 {
      %mul3A_160 = arith.constant 2 : i32
      %mul3A_161 = arith.muli %mul3A_160, %scan3A_158 : i32
      %add3A_162 = arith.constant 0 : i32
      %add3A_163 = arith.addi %mul3A_161, %add3A_162 : i32
      %dma_wait3A = arith.constant 0 : i32
      %dma_wait3A_164 = tpu.memref_slice %arg3[%dma_wait3A] : memref<163840xi32, #tpu.memory_space<hbm>> -> memref<512xi32, #tpu.memory_space<hbm>>
      %dma_wait3A_165 = arith.constant 0 : i32
      %dma_wait3A_166 = tpu.memref_slice %arg3[%dma_wait3A_165] : memref<163840xi32, #tpu.memory_space<hbm>> -> memref<512xi32, #tpu.memory_space<hbm>>
      tpu.wait_dma2 semaphore(%arg18 : memref<!tpu.dma_semaphore, #tpu.memory_space<semaphore_mem>>) src(%dma_wait3A_166 : memref<512xi32, #tpu.memory_space<hbm>>) dst(%arg8 : memref<512xi32, #tpu.memory_space<vmem>>)
      %dma_wait3A_167 = arith.constant 0 : i32
      %dma_wait3A_168 = tpu.memref_slice %arg4[%dma_wait3A_167] : memref<163840xi32, #tpu.memory_space<hbm>> -> memref<512xi32, #tpu.memory_space<hbm>>
      %dma_wait3A_169 = arith.constant 0 : i32
      %dma_wait3A_170 = tpu.memref_slice %arg4[%dma_wait3A_169] : memref<163840xi32, #tpu.memory_space<hbm>> -> memref<512xi32, #tpu.memory_space<hbm>>
      tpu.wait_dma2 semaphore(%arg18 : memref<!tpu.dma_semaphore, #tpu.memory_space<semaphore_mem>>) src(%dma_wait3A_170 : memref<512xi32, #tpu.memory_space<hbm>>) dst(%arg10 : memref<512xi32, #tpu.memory_space<vmem>>)
      %lt3A_171 = arith.constant 19 : i32
      %lt3A_172 = arith.cmpi slt, %add3A_163, %lt3A_171 : i32
      %convert_element_type3A_173 = arith.extui %lt3A_172 : i1 to i32
      %cond3A_174 = arith.constant 0 : i32
      %cond3A_175 = arith.cmpi ne, %convert_element_type3A_173, %cond3A_174 : i32
      scf.if %cond3A_175 {
        %add3A_205 = arith.constant 1 : i32
        %add3A_206 = arith.addi %add3A_163, %add3A_205 : i32
        %mul3A_207 = arith.constant 512 : i32
        %mul3A_208 = arith.muli %add3A_206, %mul3A_207 : i32
        %add3A_209 = arith.addi %mul3A_0, %mul3A_208 : i32
        %dma_start3A_210 = tpu.memref_slice %arg3[%add3A_209] : memref<163840xi32, #tpu.memory_space<hbm>> -> memref<512xi32, #tpu.memory_space<hbm>>
        %dma_start3A_211 = tpu.memref_slice %arg3[%add3A_209] : memref<163840xi32, #tpu.memory_space<hbm>> -> memref<512xi32, #tpu.memory_space<hbm>>
        tpu.enqueue_dma source(%dma_start3A_211 : memref<512xi32, #tpu.memory_space<hbm>>) target(%arg9 : memref<512xi32, #tpu.memory_space<vmem>>) target_semaphore(%arg19 : memref<!tpu.dma_semaphore, #tpu.memory_space<semaphore_mem>>)
        %dma_start3A_212 = tpu.memref_slice %arg4[%add3A_209] : memref<163840xi32, #tpu.memory_space<hbm>> -> memref<512xi32, #tpu.memory_space<hbm>>
        %dma_start3A_213 = tpu.memref_slice %arg4[%add3A_209] : memref<163840xi32, #tpu.memory_space<hbm>> -> memref<512xi32, #tpu.memory_space<hbm>>
        tpu.enqueue_dma source(%dma_start3A_213 : memref<512xi32, #tpu.memory_space<hbm>>) target(%arg11 : memref<512xi32, #tpu.memory_space<vmem>>) target_semaphore(%arg19 : memref<!tpu.dma_semaphore, #tpu.memory_space<semaphore_mem>>)
      } else {
      }
      %scan3A_176 = arith.constant 0 : i32
      %scan3A_177 = arith.constant 32 : i32
      %scan3A_178 = arith.addi %scan3A_176, %scan3A_177 : i32
      %scan3A_179 = arith.constant 1 : i32
      %scan3A_180 = scf.for %scan3A_205 = %scan3A_176 to %scan3A_178 step %scan3A_179 iter_args(%scan3A_206 = %scan3A_159) -> (i32)  : i32 {
        %mul3A_207 = arith.constant 16 : i32
        %mul3A_208 = arith.muli %scan3A_205, %mul3A_207 : i32
        %get3A_209 = arith.index_cast %mul3A_208 : i32 to index
        %get3A_210 = tpu.vector_load %arg8[%get3A_209] {strides = array<i32>} : memref<512xi32, #tpu.memory_space<vmem>>, vector<16xi32>,
        %mul3A_211 = arith.constant 16 : i32
        %mul3A_212 = arith.muli %scan3A_205, %mul3A_211 : i32
        %get3A_213 = arith.index_cast %mul3A_212 : i32 to index
        %get3A_214 = tpu.vector_load %arg10[%get3A_213] {strides = array<i32>} : memref<512xi32, #tpu.memory_space<vmem>>, vector<16xi32>,
        %sub3A_215 = vector.broadcast %mul3A_2 : i32 to vector<16xi32>
        %sub3A_216 = arith.subi %get3A_214, %sub3A_215 : vector<16xi32>
        %ge3A = vector.broadcast %mul3A_2 : i32 to vector<16xi32>
        %ge3A_217 = arith.cmpi sge, %get3A_214, %ge3A : vector<16xi32>
        %lt3A_218 = arith.constant 5000 : i32
        %lt3A_219 = vector.broadcast %lt3A_218 : i32 to vector<16xi32>
        %lt3A_220 = arith.cmpi slt, %sub3A_216, %lt3A_219 : vector<16xi32>
        %and3A_221 = arith.andi %ge3A_217, %lt3A_220 : vector<16xi1>
        %convert_element_type3A_222 = arith.extui %and3A_221 : vector<16xi1> to vector<16xi32>
        %broadcast_in_dim3A_223 = arith.constant true
        %broadcast_in_dim3A_224 = vector.broadcast %broadcast_in_dim3A_223 : i1 to vector<16xi1>
        %masked_cumsum3A = tpu.scan <sum>, %convert_element_type3A_222 masked %broadcast_in_dim3A_224 : vector<16xi32>, vector<16xi1> -> vector<16xi32>
        %add3A_225 = vector.broadcast %scan3A_206 : i32 to vector<16xi32>
        %add3A_226 = arith.addi %add3A_225, %masked_cumsum3A : vector<16xi32>
        %sub3A_227 = arith.constant 1 : i32
        %sub3A_228 = vector.broadcast %sub3A_227 : i32 to vector<16xi32>
        %sub3A_229 = arith.subi %add3A_226, %sub3A_228 : vector<16xi32>
        tpu.vector_store_idx %arg6[%sub3A_229], %get3A_210 masked %and3A_221 : memref<5696xi32, #tpu.memory_space<vmem>>[vector<16xi32>], vector<16xi32>, vector<16xi1>
        tpu.vector_store_idx %arg7[%sub3A_229], %sub3A_216 masked %and3A_221 : memref<5696xi32, #tpu.memory_space<vmem>>[vector<16xi32>], vector<16xi32>, vector<16xi1>
        %reduce_sum3A = arith.constant true
        %reduce_sum3A_230 = vector.broadcast %reduce_sum3A : i1 to vector<16xi1>
        %reduce_sum3A_231 = tpu.scan <sum>, %convert_element_type3A_222 masked %reduce_sum3A_230 : vector<16xi32>, vector<16xi1> -> vector<16xi32>
        %reduce_sum3A_232 = vector.extract %reduce_sum3A_231[15] : i32 from vector<16xi32>
        %add3A_233 = arith.addi %scan3A_206, %reduce_sum3A_232 : i32
        scf.yield %add3A_233 : i32
      }
      %scan3A_181 = arith.constant 32 : i32
      %mul3A_182 = arith.constant 2 : i32
      %mul3A_183 = arith.muli %mul3A_182, %scan3A_158 : i32
      %add3A_184 = arith.constant 1 : i32
      %add3A_185 = arith.addi %mul3A_183, %add3A_184 : i32
      %dma_wait3A_186 = arith.constant 0 : i32
      %dma_wait3A_187 = tpu.memref_slice %arg3[%dma_wait3A_186] : memref<163840xi32, #tpu.memory_space<hbm>> -> memref<512xi32, #tpu.memory_space<hbm>>
      %dma_wait3A_188 = arith.constant 0 : i32
      %dma_wait3A_189 = tpu.memref_slice %arg3[%dma_wait3A_188] : memref<163840xi32, #tpu.memory_space<hbm>> -> memref<512xi32, #tpu.memory_space<hbm>>
      tpu.wait_dma2 semaphore(%arg19 : memref<!tpu.dma_semaphore, #tpu.memory_space<semaphore_mem>>) src(%dma_wait3A_189 : memref<512xi32, #tpu.memory_space<hbm>>) dst(%arg9 : memref<512xi32, #tpu.memory_space<vmem>>)
      %dma_wait3A_190 = arith.constant 0 : i32
      %dma_wait3A_191 = tpu.memref_slice %arg4[%dma_wait3A_190] : memref<163840xi32, #tpu.memory_space<hbm>> -> memref<512xi32, #tpu.memory_space<hbm>>
      %dma_wait3A_192 = arith.constant 0 : i32
      %dma_wait3A_193 = tpu.memref_slice %arg4[%dma_wait3A_192] : memref<163840xi32, #tpu.memory_space<hbm>> -> memref<512xi32, #tpu.memory_space<hbm>>
      tpu.wait_dma2 semaphore(%arg19 : memref<!tpu.dma_semaphore, #tpu.memory_space<semaphore_mem>>) src(%dma_wait3A_193 : memref<512xi32, #tpu.memory_space<hbm>>) dst(%arg11 : memref<512xi32, #tpu.memory_space<vmem>>)
      %lt3A_194 = arith.constant 19 : i32
      %lt3A_195 = arith.cmpi slt, %add3A_185, %lt3A_194 : i32
      %convert_element_type3A_196 = arith.extui %lt3A_195 : i1 to i32
      %cond3A_197 = arith.constant 0 : i32
      %cond3A_198 = arith.cmpi ne, %convert_element_type3A_196, %cond3A_197 : i32
      scf.if %cond3A_198 {
        %add3A_205 = arith.constant 1 : i32
        %add3A_206 = arith.addi %add3A_185, %add3A_205 : i32
        %mul3A_207 = arith.constant 512 : i32
        %mul3A_208 = arith.muli %add3A_206, %mul3A_207 : i32
        %add3A_209 = arith.addi %mul3A_0, %mul3A_208 : i32
        %dma_start3A_210 = tpu.memref_slice %arg3[%add3A_209] : memref<163840xi32, #tpu.memory_space<hbm>> -> memref<512xi32, #tpu.memory_space<hbm>>
        %dma_start3A_211 = tpu.memref_slice %arg3[%add3A_209] : memref<163840xi32, #tpu.memory_space<hbm>> -> memref<512xi32, #tpu.memory_space<hbm>>
        tpu.enqueue_dma source(%dma_start3A_211 : memref<512xi32, #tpu.memory_space<hbm>>) target(%arg8 : memref<512xi32, #tpu.memory_space<vmem>>) target_semaphore(%arg18 : memref<!tpu.dma_semaphore, #tpu.memory_space<semaphore_mem>>)
        %dma_start3A_212 = tpu.memref_slice %arg4[%add3A_209] : memref<163840xi32, #tpu.memory_space<hbm>> -> memref<512xi32, #tpu.memory_space<hbm>>
        %dma_start3A_213 = tpu.memref_slice %arg4[%add3A_209] : memref<163840xi32, #tpu.memory_space<hbm>> -> memref<512xi32, #tpu.memory_space<hbm>>
        tpu.enqueue_dma source(%dma_start3A_213 : memref<512xi32, #tpu.memory_space<hbm>>) target(%arg10 : memref<512xi32, #tpu.memory_space<vmem>>) target_semaphore(%arg18 : memref<!tpu.dma_semaphore, #tpu.memory_space<semaphore_mem>>)
      } else {
      }
      %scan3A_199 = arith.constant 0 : i32
      %scan3A_200 = arith.constant 32 : i32
      %scan3A_201 = arith.addi %scan3A_199, %scan3A_200 : i32
      %scan3A_202 = arith.constant 1 : i32
      %scan3A_203 = scf.for %scan3A_205 = %scan3A_199 to %scan3A_201 step %scan3A_202 iter_args(%scan3A_206 = %scan3A_180) -> (i32)  : i32 {
        %mul3A_207 = arith.constant 16 : i32
        %mul3A_208 = arith.muli %scan3A_205, %mul3A_207 : i32
        %get3A_209 = arith.index_cast %mul3A_208 : i32 to index
        %get3A_210 = tpu.vector_load %arg9[%get3A_209] {strides = array<i32>} : memref<512xi32, #tpu.memory_space<vmem>>, vector<16xi32>,
        %mul3A_211 = arith.constant 16 : i32
        %mul3A_212 = arith.muli %scan3A_205, %mul3A_211 : i32
        %get3A_213 = arith.index_cast %mul3A_212 : i32 to index
        %get3A_214 = tpu.vector_load %arg11[%get3A_213] {strides = array<i32>} : memref<512xi32, #tpu.memory_space<vmem>>, vector<16xi32>,
        %sub3A_215 = vector.broadcast %mul3A_2 : i32 to vector<16xi32>
        %sub3A_216 = arith.subi %get3A_214, %sub3A_215 : vector<16xi32>
        %ge3A = vector.broadcast %mul3A_2 : i32 to vector<16xi32>
        %ge3A_217 = arith.cmpi sge, %get3A_214, %ge3A : vector<16xi32>
        %lt3A_218 = arith.constant 5000 : i32
        %lt3A_219 = vector.broadcast %lt3A_218 : i32 to vector<16xi32>
        %lt3A_220 = arith.cmpi slt, %sub3A_216, %lt3A_219 : vector<16xi32>
        %and3A_221 = arith.andi %ge3A_217, %lt3A_220 : vector<16xi1>
        %convert_element_type3A_222 = arith.extui %and3A_221 : vector<16xi1> to vector<16xi32>
        %broadcast_in_dim3A_223 = arith.constant true
        %broadcast_in_dim3A_224 = vector.broadcast %broadcast_in_dim3A_223 : i1 to vector<16xi1>
        %masked_cumsum3A = tpu.scan <sum>, %convert_element_type3A_222 masked %broadcast_in_dim3A_224 : vector<16xi32>, vector<16xi1> -> vector<16xi32>
        %add3A_225 = vector.broadcast %scan3A_206 : i32 to vector<16xi32>
        %add3A_226 = arith.addi %add3A_225, %masked_cumsum3A : vector<16xi32>
        %sub3A_227 = arith.constant 1 : i32
        %sub3A_228 = vector.broadcast %sub3A_227 : i32 to vector<16xi32>
        %sub3A_229 = arith.subi %add3A_226, %sub3A_228 : vector<16xi32>
        tpu.vector_store_idx %arg6[%sub3A_229], %get3A_210 masked %and3A_221 : memref<5696xi32, #tpu.memory_space<vmem>>[vector<16xi32>], vector<16xi32>, vector<16xi1>
        tpu.vector_store_idx %arg7[%sub3A_229], %sub3A_216 masked %and3A_221 : memref<5696xi32, #tpu.memory_space<vmem>>[vector<16xi32>], vector<16xi32>, vector<16xi1>
        %reduce_sum3A = arith.constant true
        %reduce_sum3A_230 = vector.broadcast %reduce_sum3A : i1 to vector<16xi1>
        %reduce_sum3A_231 = tpu.scan <sum>, %convert_element_type3A_222 masked %reduce_sum3A_230 : vector<16xi32>, vector<16xi1> -> vector<16xi32>
        %reduce_sum3A_232 = vector.extract %reduce_sum3A_231[15] : i32 from vector<16xi32>
        %add3A_233 = arith.addi %scan3A_206, %reduce_sum3A_232 : i32
        scf.yield %add3A_233 : i32
      }
      %scan3A_204 = arith.constant 32 : i32
      scf.yield %scan3A_203 : i32
    }
    %scan3A_92 = arith.constant 10 : i32
    %barrier3A = arith.constant 0 : index
    tpu.barrier barrier_id(%barrier3A)
    %dma_start3A_93 = arith.constant 0 : i32
    %dma_start3A_94 = tpu.memref_slice %arg6[%dma_start3A_93] : memref<5696xi32, #tpu.memory_space<vmem>> -> memref<32xi32, #tpu.memory_space<vmem>>
    %dma_start3A_95 = arith.constant 0 : i32
    %dma_start3A_96 = arith.constant 0 : i32
    %dma_start3A_97 = tpu.memref_slice %arg2[%dma_start3A_95, %dma_start3A_96] : memref<10016x288xf32, #tpu.memory_space<hbm>> -> memref<10016x288xf32, #tpu.memory_space<hbm>>
    tpu.enqueue_indirect_dma source(%dma_start3A_97 : memref<10016x288xf32, #tpu.memory_space<hbm>>) target(%arg12 : memref<32x288xf32, #tpu.memory_space<vmem>>) offsets(%dma_start3A_94 : memref<32xi32, #tpu.memory_space<vmem>>) semaphore(%arg16 : memref<!tpu.dma_semaphore, #tpu.memory_space<semaphore_mem>>)
    %get3A = arith.constant 0 : index
    %get3A_98 = tpu.vector_load %arg7[%get3A] {strides = array<i32>} : memref<5696xi32, #tpu.memory_space<vmem>>, vector<16xi32>,
    %swap3A = arith.constant 0 : index
    %swap3A_99 = tpu.vector_load %arg14[%swap3A] {strides = array<i32>} : memref<32xi32, #tpu.memory_space<vmem>>, vector<16xi32>,
    tpu.vector_store %arg14[%swap3A], %get3A_98 {strides = array<i32>} : memref<32xi32, #tpu.memory_space<vmem>>, vector<16xi32>,
    %get3A_100 = arith.constant 16 : index
    %get3A_101 = tpu.vector_load %arg7[%get3A_100] {strides = array<i32>} : memref<5696xi32, #tpu.memory_space<vmem>>, vector<16xi32>,
    %swap3A_102 = arith.constant 16 : index
    %swap3A_103 = tpu.vector_load %arg14[%swap3A_102] {strides = array<i32>} : memref<32xi32, #tpu.memory_space<vmem>>, vector<16xi32>,
    tpu.vector_store %arg14[%swap3A_102], %get3A_101 {strides = array<i32>} : memref<32xi32, #tpu.memory_space<vmem>>, vector<16xi32>,
    %dma_start3A_104 = arith.constant 32 : i32
    %dma_start3A_105 = tpu.memref_slice %arg6[%dma_start3A_104] : memref<5696xi32, #tpu.memory_space<vmem>> -> memref<32xi32, #tpu.memory_space<vmem>>
    %dma_start3A_106 = arith.constant 0 : i32
    %dma_start3A_107 = arith.constant 0 : i32
    %dma_start3A_108 = tpu.memref_slice %arg2[%dma_start3A_106, %dma_start3A_107] : memref<10016x288xf32, #tpu.memory_space<hbm>> -> memref<10016x288xf32, #tpu.memory_space<hbm>>
    tpu.enqueue_indirect_dma source(%dma_start3A_108 : memref<10016x288xf32, #tpu.memory_space<hbm>>) target(%arg13 : memref<32x288xf32, #tpu.memory_space<vmem>>) offsets(%dma_start3A_105 : memref<32xi32, #tpu.memory_space<vmem>>) semaphore(%arg17 : memref<!tpu.dma_semaphore, #tpu.memory_space<semaphore_mem>>)
    %get3A_109 = arith.constant 32 : index
    %get3A_110 = tpu.vector_load %arg7[%get3A_109] {strides = array<i32>} : memref<5696xi32, #tpu.memory_space<vmem>>, vector<16xi32>,
    %swap3A_111 = arith.constant 0 : index
    %swap3A_112 = tpu.vector_load %arg15[%swap3A_111] {strides = array<i32>} : memref<32xi32, #tpu.memory_space<vmem>>, vector<16xi32>,
    tpu.vector_store %arg15[%swap3A_111], %get3A_110 {strides = array<i32>} : memref<32xi32, #tpu.memory_space<vmem>>, vector<16xi32>,
    %get3A_113 = arith.constant 48 : index
    %get3A_114 = tpu.vector_load %arg7[%get3A_113] {strides = array<i32>} : memref<5696xi32, #tpu.memory_space<vmem>>, vector<16xi32>,
    %swap3A_115 = arith.constant 16 : index
    %swap3A_116 = tpu.vector_load %arg15[%swap3A_115] {strides = array<i32>} : memref<32xi32, #tpu.memory_space<vmem>>, vector<16xi32>,
    tpu.vector_store %arg15[%swap3A_115], %get3A_114 {strides = array<i32>} : memref<32xi32, #tpu.memory_space<vmem>>, vector<16xi32>,
    %add3A_117 = arith.constant 64 : i32
    %add3A_118 = arith.addi %scan3A_91, %add3A_117 : i32
    %sub3A = arith.constant 1 : i32
    %sub3A_119 = arith.subi %add3A_118, %sub3A : i32
    %jit3A = arith.constant 64 : i32
    %div3A = arith.divsi %sub3A_119, %jit3A : i32
    %sign3A = arith.constant 0 : i32
    %sign3A_120 = arith.cmpi sgt, %sub3A_119, %sign3A : i32
    %sign3A_121 = arith.extui %sign3A_120 : i1 to i32
    %sign3A_122 = arith.constant 0 : i32
    %sign3A_123 = arith.cmpi slt, %sub3A_119, %sign3A_122 : i32
    %sign3A_124 = arith.extui %sign3A_123 : i1 to i32
    %sign3A_125 = arith.subi %sign3A_121, %sign3A_124 : i32
    %sign3A_126 = arith.constant 0 : i32
    %sign3A_127 = arith.cmpi sgt, %jit3A, %sign3A_126 : i32
    %sign3A_128 = arith.extui %sign3A_127 : i1 to i32
    %sign3A_129 = arith.constant 0 : i32
    %sign3A_130 = arith.cmpi slt, %jit3A, %sign3A_129 : i32
    %sign3A_131 = arith.extui %sign3A_130 : i1 to i32
    %sign3A_132 = arith.subi %sign3A_128, %sign3A_131 : i32
    %ne3A = arith.cmpi ne, %sign3A_125, %sign3A_132 : i32
    %rem3A = arith.remsi %sub3A_119, %jit3A : i32
    %ne3A_133 = arith.constant 0 : i32
    %ne3A_134 = arith.cmpi ne, %rem3A, %ne3A_133 : i32
    %and3A = arith.andi %ne3A, %ne3A_134 : i1
    %sub3A_135 = arith.constant 1 : i32
    %sub3A_136 = arith.subi %div3A, %sub3A_135 : i32
    %select_n3A = arith.select %and3A, %sub3A_136, %div3A : i32
    %add3A_137 = arith.constant 1 : i32
    %add3A_138 = arith.addi %select_n3A, %add3A_137 : i32
    %while3A = arith.constant 0 : i32
    %while3A_139 = arith.constant 0 : i32
    %while3A_140 = arith.subi %add3A_138, %while3A : i32
    %while3A_141 = arith.addi %while3A, %while3A_140 : i32
    %while3A_142 = arith.constant 1 : i32
    %while3A_143 = arith.divsi %while3A_140, %while3A_142 : i32
    %while3A_144 = arith.muli %while3A_143, %while3A_142 : i32
    %while3A_145 = arith.addi %while3A, %while3A_144 : i32
    %while3A_146 = arith.constant 1 : i32
    %while3A_147 = scf.for %while3A_158 = %while3A to %while3A_145 step %while3A_146 iter_args(%while3A_159 = %while3A_139) -> (i32)  : i32 {
      %dma_wait3A = arith.constant 0 : i32
      %dma_wait3A_160 = tpu.memref_slice %arg6[%dma_wait3A] : memref<5696xi32, #tpu.memory_space<vmem>> -> memref<32xi32, #tpu.memory_space<vmem>>
      %dma_wait3A_161 = arith.constant 0 : i32
      %dma_wait3A_162 = arith.constant 0 : i32
      %dma_wait3A_163 = tpu.memref_slice %arg2[%dma_wait3A_161, %dma_wait3A_162] : memref<10016x288xf32, #tpu.memory_space<hbm>> -> memref<10016x288xf32, #tpu.memory_space<hbm>>
      tpu.wait_indirect_dma semaphore(%arg16 : memref<!tpu.dma_semaphore, #tpu.memory_space<semaphore_mem>>) src(%dma_wait3A_163 : memref<10016x288xf32, #tpu.memory_space<hbm>>) dst(%arg12 : memref<32x288xf32, #tpu.memory_space<vmem>>)
      "tpu.region"() ({
        %run_scoped3A = tpu.sem_alloc : memref<!tpu.dma_semaphore, #tpu.memory_space<semaphore_mem>>
        %dma_start3A_182 = arith.constant 0 : i32
        %dma_start3A_183 = arith.constant 0 : i32
        %dma_start3A_184 = tpu.memref_slice %arg20[%dma_start3A_182, %dma_start3A_183] : memref<5120x288xf32, #tpu.memory_space<vmem_shared>> -> memref<5120x288xf32, #tpu.memory_space<vmem_shared>>
        tpu.enqueue_indirect_dma source(%arg12 : memref<32x288xf32, #tpu.memory_space<vmem>>) target(%dma_start3A_184 : memref<5120x288xf32, #tpu.memory_space<vmem_shared>>) offsets(%arg14 : memref<32xi32, #tpu.memory_space<vmem>>) semaphore(%run_scoped3A : memref<!tpu.dma_semaphore, #tpu.memory_space<semaphore_mem>>) {add = true}
        %dma_wait3A_185 = arith.constant 0 : i32
        %dma_wait3A_186 = arith.constant 0 : i32
        %dma_wait3A_187 = tpu.memref_slice %arg20[%dma_wait3A_185, %dma_wait3A_186] : memref<5120x288xf32, #tpu.memory_space<vmem_shared>> -> memref<5120x288xf32, #tpu.memory_space<vmem_shared>>
        tpu.wait_indirect_dma semaphore(%run_scoped3A : memref<!tpu.dma_semaphore, #tpu.memory_space<semaphore_mem>>) src(%arg12 : memref<32x288xf32, #tpu.memory_space<vmem>>) dst(%dma_wait3A_187 : memref<5120x288xf32, #tpu.memory_space<vmem_shared>>)
        tpu.yield
      }) : () -> ()
      %sub3A_164 = arith.constant 1 : i32
      %sub3A_165 = arith.subi %add3A_138, %sub3A_164 : i32
      %lt3A_166 = arith.cmpi slt, %while3A_158, %sub3A_165 : i32
      %convert_element_type3A_167 = arith.extui %lt3A_166 : i1 to i32
      %cond3A_168 = arith.constant 0 : i32
      %cond3A_169 = arith.cmpi ne, %convert_element_type3A_167, %cond3A_168 : i32
      scf.if %cond3A_169 {
        %mul3A_182 = arith.constant 2 : i32
        %mul3A_183 = arith.muli %while3A_158, %mul3A_182 : i32
        %add3A_184 = arith.constant 0 : i32
        %add3A_185 = arith.addi %mul3A_183, %add3A_184 : i32
        %add3A_186 = arith.constant 2 : i32
        %add3A_187 = arith.addi %add3A_185, %add3A_186 : i32
        %mul3A_188 = arith.constant 32 : i32
        %mul3A_189 = arith.muli %add3A_187, %mul3A_188 : i32
        %dma_start3A_190 = tpu.memref_slice %arg6[%mul3A_189] : memref<5696xi32, #tpu.memory_space<vmem>> -> memref<32xi32, #tpu.memory_space<vmem>>
        %dma_start3A_191 = arith.constant 0 : i32
        %dma_start3A_192 = arith.constant 0 : i32
        %dma_start3A_193 = tpu.memref_slice %arg2[%dma_start3A_191, %dma_start3A_192] : memref<10016x288xf32, #tpu.memory_space<hbm>> -> memref<10016x288xf32, #tpu.memory_space<hbm>>
        tpu.enqueue_indirect_dma source(%dma_start3A_193 : memref<10016x288xf32, #tpu.memory_space<hbm>>) target(%arg12 : memref<32x288xf32, #tpu.memory_space<vmem>>) offsets(%dma_start3A_190 : memref<32xi32, #tpu.memory_space<vmem>>) semaphore(%arg16 : memref<!tpu.dma_semaphore, #tpu.memory_space<semaphore_mem>>)
        %mul3A_194 = arith.constant 32 : i32
        %mul3A_195 = arith.muli %add3A_187, %mul3A_194 : i32
        %add3A_196 = arith.constant 0 : i32
        %add3A_197 = arith.addi %mul3A_195, %add3A_196 : i32
        %get3A_198 = arith.index_cast %add3A_197 : i32 to index
        %get3A_199 = tpu.vector_load %arg7[%get3A_198] {strides = array<i32>} : memref<5696xi32, #tpu.memory_space<vmem>>, vector<16xi32>,
        %swap3A_200 = arith.constant 0 : index
        %swap3A_201 = tpu.vector_load %arg14[%swap3A_200] {strides = array<i32>} : memref<32xi32, #tpu.memory_space<vmem>>, vector<16xi32>,
        tpu.vector_store %arg14[%swap3A_200], %get3A_199 {strides = array<i32>} : memref<32xi32, #tpu.memory_space<vmem>>, vector<16xi32>,
        %mul3A_202 = arith.constant 32 : i32
        %mul3A_203 = arith.muli %add3A_187, %mul3A_202 : i32
        %add3A_204 = arith.constant 16 : i32
        %add3A_205 = arith.addi %mul3A_203, %add3A_204 : i32
        %get3A_206 = arith.index_cast %add3A_205 : i32 to index
        %get3A_207 = tpu.vector_load %arg7[%get3A_206] {strides = array<i32>} : memref<5696xi32, #tpu.memory_space<vmem>>, vector<16xi32>,
        %swap3A_208 = arith.constant 16 : index
        %swap3A_209 = tpu.vector_load %arg14[%swap3A_208] {strides = array<i32>} : memref<32xi32, #tpu.memory_space<vmem>>, vector<16xi32>,
        tpu.vector_store %arg14[%swap3A_208], %get3A_207 {strides = array<i32>} : memref<32xi32, #tpu.memory_space<vmem>>, vector<16xi32>,
      } else {
      }
      %dma_wait3A_170 = arith.constant 0 : i32
      %dma_wait3A_171 = tpu.memref_slice %arg6[%dma_wait3A_170] : memref<5696xi32, #tpu.memory_space<vmem>> -> memref<32xi32, #tpu.memory_space<vmem>>
      %dma_wait3A_172 = arith.constant 0 : i32
      %dma_wait3A_173 = arith.constant 0 : i32
      %dma_wait3A_174 = tpu.memref_slice %arg2[%dma_wait3A_172, %dma_wait3A_173] : memref<10016x288xf32, #tpu.memory_space<hbm>> -> memref<10016x288xf32, #tpu.memory_space<hbm>>
      tpu.wait_indirect_dma semaphore(%arg17 : memref<!tpu.dma_semaphore, #tpu.memory_space<semaphore_mem>>) src(%dma_wait3A_174 : memref<10016x288xf32, #tpu.memory_space<hbm>>) dst(%arg13 : memref<32x288xf32, #tpu.memory_space<vmem>>)
      "tpu.region"() ({
        %run_scoped3A = tpu.sem_alloc : memref<!tpu.dma_semaphore, #tpu.memory_space<semaphore_mem>>
        %dma_start3A_182 = arith.constant 0 : i32
        %dma_start3A_183 = arith.constant 0 : i32
        %dma_start3A_184 = tpu.memref_slice %arg20[%dma_start3A_182, %dma_start3A_183] : memref<5120x288xf32, #tpu.memory_space<vmem_shared>> -> memref<5120x288xf32, #tpu.memory_space<vmem_shared>>
        tpu.enqueue_indirect_dma source(%arg13 : memref<32x288xf32, #tpu.memory_space<vmem>>) target(%dma_start3A_184 : memref<5120x288xf32, #tpu.memory_space<vmem_shared>>) offsets(%arg15 : memref<32xi32, #tpu.memory_space<vmem>>) semaphore(%run_scoped3A : memref<!tpu.dma_semaphore, #tpu.memory_space<semaphore_mem>>) {add = true}
        %dma_wait3A_185 = arith.constant 0 : i32
        %dma_wait3A_186 = arith.constant 0 : i32
        %dma_wait3A_187 = tpu.memref_slice %arg20[%dma_wait3A_185, %dma_wait3A_186] : memref<5120x288xf32, #tpu.memory_space<vmem_shared>> -> memref<5120x288xf32, #tpu.memory_space<vmem_shared>>
        tpu.wait_indirect_dma semaphore(%run_scoped3A : memref<!tpu.dma_semaphore, #tpu.memory_space<semaphore_mem>>) src(%arg13 : memref<32x288xf32, #tpu.memory_space<vmem>>) dst(%dma_wait3A_187 : memref<5120x288xf32, #tpu.memory_space<vmem_shared>>)
        tpu.yield
      }) : () -> ()
      %sub3A_175 = arith.constant 1 : i32
      %sub3A_176 = arith.subi %add3A_138, %sub3A_175 : i32
      %lt3A_177 = arith.cmpi slt, %while3A_158, %sub3A_176 : i32
      %convert_element_type3A_178 = arith.extui %lt3A_177 : i1 to i32
      %cond3A_179 = arith.constant 0 : i32
      %cond3A_180 = arith.cmpi ne, %convert_element_type3A_178, %cond3A_179 : i32
      scf.if %cond3A_180 {
        %mul3A_182 = arith.constant 2 : i32
        %mul3A_183 = arith.muli %while3A_158, %mul3A_182 : i32
        %add3A_184 = arith.constant 1 : i32
        %add3A_185 = arith.addi %mul3A_183, %add3A_184 : i32
        %add3A_186 = arith.constant 2 : i32
        %add3A_187 = arith.addi %add3A_185, %add3A_186 : i32
        %mul3A_188 = arith.constant 32 : i32
        %mul3A_189 = arith.muli %add3A_187, %mul3A_188 : i32
        %dma_start3A_190 = tpu.memref_slice %arg6[%mul3A_189] : memref<5696xi32, #tpu.memory_space<vmem>> -> memref<32xi32, #tpu.memory_space<vmem>>
        %dma_start3A_191 = arith.constant 0 : i32
        %dma_start3A_192 = arith.constant 0 : i32
        %dma_start3A_193 = tpu.memref_slice %arg2[%dma_start3A_191, %dma_start3A_192] : memref<10016x288xf32, #tpu.memory_space<hbm>> -> memref<10016x288xf32, #tpu.memory_space<hbm>>
        tpu.enqueue_indirect_dma source(%dma_start3A_193 : memref<10016x288xf32, #tpu.memory_space<hbm>>) target(%arg13 : memref<32x288xf32, #tpu.memory_space<vmem>>) offsets(%dma_start3A_190 : memref<32xi32, #tpu.memory_space<vmem>>) semaphore(%arg17 : memref<!tpu.dma_semaphore, #tpu.memory_space<semaphore_mem>>)
        %mul3A_194 = arith.constant 32 : i32
        %mul3A_195 = arith.muli %add3A_187, %mul3A_194 : i32
        %add3A_196 = arith.constant 0 : i32
        %add3A_197 = arith.addi %mul3A_195, %add3A_196 : i32
        %get3A_198 = arith.index_cast %add3A_197 : i32 to index
        %get3A_199 = tpu.vector_load %arg7[%get3A_198] {strides = array<i32>} : memref<5696xi32, #tpu.memory_space<vmem>>, vector<16xi32>,
        %swap3A_200 = arith.constant 0 : index
        %swap3A_201 = tpu.vector_load %arg15[%swap3A_200] {strides = array<i32>} : memref<32xi32, #tpu.memory_space<vmem>>, vector<16xi32>,
        tpu.vector_store %arg15[%swap3A_200], %get3A_199 {strides = array<i32>} : memref<32xi32, #tpu.memory_space<vmem>>, vector<16xi32>,
        %mul3A_202 = arith.constant 32 : i32
        %mul3A_203 = arith.muli %add3A_187, %mul3A_202 : i32
        %add3A_204 = arith.constant 16 : i32
        %add3A_205 = arith.addi %mul3A_203, %add3A_204 : i32
        %get3A_206 = arith.index_cast %add3A_205 : i32 to index
        %get3A_207 = tpu.vector_load %arg7[%get3A_206] {strides = array<i32>} : memref<5696xi32, #tpu.memory_space<vmem>>, vector<16xi32>,
        %swap3A_208 = arith.constant 16 : index
        %swap3A_209 = tpu.vector_load %arg15[%swap3A_208] {strides = array<i32>} : memref<32xi32, #tpu.memory_space<vmem>>, vector<16xi32>,
        tpu.vector_store %arg15[%swap3A_208], %get3A_207 {strides = array<i32>} : memref<32xi32, #tpu.memory_space<vmem>>, vector<16xi32>,
      } else {
      }
      %while3A_181 = arith.constant 0 : i32
      scf.yield %while3A_181 : i32
    }
    %while3A_148 = arith.constant 1 : i32
    %while3A_149 = scf.for %while3A_158 = %while3A_145 to %while3A_141 step %while3A_148 iter_args(%while3A_159 = %while3A_147) -> (i32)  : i32 {
      %dma_wait3A = arith.constant 0 : i32
      %dma_wait3A_160 = tpu.memref_slice %arg6[%dma_wait3A] : memref<5696xi32, #tpu.memory_space<vmem>> -> memref<32xi32, #tpu.memory_space<vmem>>
      %dma_wait3A_161 = arith.constant 0 : i32
      %dma_wait3A_162 = arith.constant 0 : i32
      %dma_wait3A_163 = tpu.memref_slice %arg2[%dma_wait3A_161, %dma_wait3A_162] : memref<10016x288xf32, #tpu.memory_space<hbm>> -> memref<10016x288xf32, #tpu.memory_space<hbm>>
      tpu.wait_indirect_dma semaphore(%arg16 : memref<!tpu.dma_semaphore, #tpu.memory_space<semaphore_mem>>) src(%dma_wait3A_163 : memref<10016x288xf32, #tpu.memory_space<hbm>>) dst(%arg12 : memref<32x288xf32, #tpu.memory_space<vmem>>)
      "tpu.region"() ({
        %run_scoped3A = tpu.sem_alloc : memref<!tpu.dma_semaphore, #tpu.memory_space<semaphore_mem>>
        %dma_start3A_182 = arith.constant 0 : i32
        %dma_start3A_183 = arith.constant 0 : i32
        %dma_start3A_184 = tpu.memref_slice %arg20[%dma_start3A_182, %dma_start3A_183] : memref<5120x288xf32, #tpu.memory_space<vmem_shared>> -> memref<5120x288xf32, #tpu.memory_space<vmem_shared>>
        tpu.enqueue_indirect_dma source(%arg12 : memref<32x288xf32, #tpu.memory_space<vmem>>) target(%dma_start3A_184 : memref<5120x288xf32, #tpu.memory_space<vmem_shared>>) offsets(%arg14 : memref<32xi32, #tpu.memory_space<vmem>>) semaphore(%run_scoped3A : memref<!tpu.dma_semaphore, #tpu.memory_space<semaphore_mem>>) {add = true}
        %dma_wait3A_185 = arith.constant 0 : i32
        %dma_wait3A_186 = arith.constant 0 : i32
        %dma_wait3A_187 = tpu.memref_slice %arg20[%dma_wait3A_185, %dma_wait3A_186] : memref<5120x288xf32, #tpu.memory_space<vmem_shared>> -> memref<5120x288xf32, #tpu.memory_space<vmem_shared>>
        tpu.wait_indirect_dma semaphore(%run_scoped3A : memref<!tpu.dma_semaphore, #tpu.memory_space<semaphore_mem>>) src(%arg12 : memref<32x288xf32, #tpu.memory_space<vmem>>) dst(%dma_wait3A_187 : memref<5120x288xf32, #tpu.memory_space<vmem_shared>>)
        tpu.yield
      }) : () -> ()
      %sub3A_164 = arith.constant 1 : i32
      %sub3A_165 = arith.subi %add3A_138, %sub3A_164 : i32
      %lt3A_166 = arith.cmpi slt, %while3A_158, %sub3A_165 : i32
      %convert_element_type3A_167 = arith.extui %lt3A_166 : i1 to i32
      %cond3A_168 = arith.constant 0 : i32
      %cond3A_169 = arith.cmpi ne, %convert_element_type3A_167, %cond3A_168 : i32
      scf.if %cond3A_169 {
        %mul3A_182 = arith.constant 2 : i32
        %mul3A_183 = arith.muli %while3A_158, %mul3A_182 : i32
        %add3A_184 = arith.constant 0 : i32
        %add3A_185 = arith.addi %mul3A_183, %add3A_184 : i32
        %add3A_186 = arith.constant 2 : i32
        %add3A_187 = arith.addi %add3A_185, %add3A_186 : i32
        %mul3A_188 = arith.constant 32 : i32
        %mul3A_189 = arith.muli %add3A_187, %mul3A_188 : i32
        %dma_start3A_190 = tpu.memref_slice %arg6[%mul3A_189] : memref<5696xi32, #tpu.memory_space<vmem>> -> memref<32xi32, #tpu.memory_space<vmem>>
        %dma_start3A_191 = arith.constant 0 : i32
        %dma_start3A_192 = arith.constant 0 : i32
        %dma_start3A_193 = tpu.memref_slice %arg2[%dma_start3A_191, %dma_start3A_192] : memref<10016x288xf32, #tpu.memory_space<hbm>> -> memref<10016x288xf32, #tpu.memory_space<hbm>>
        tpu.enqueue_indirect_dma source(%dma_start3A_193 : memref<10016x288xf32, #tpu.memory_space<hbm>>) target(%arg12 : memref<32x288xf32, #tpu.memory_space<vmem>>) offsets(%dma_start3A_190 : memref<32xi32, #tpu.memory_space<vmem>>) semaphore(%arg16 : memref<!tpu.dma_semaphore, #tpu.memory_space<semaphore_mem>>)
        %mul3A_194 = arith.constant 32 : i32
        %mul3A_195 = arith.muli %add3A_187, %mul3A_194 : i32
        %add3A_196 = arith.constant 0 : i32
        %add3A_197 = arith.addi %mul3A_195, %add3A_196 : i32
        %get3A_198 = arith.index_cast %add3A_197 : i32 to index
        %get3A_199 = tpu.vector_load %arg7[%get3A_198] {strides = array<i32>} : memref<5696xi32, #tpu.memory_space<vmem>>, vector<16xi32>,
        %swap3A_200 = arith.constant 0 : index
        %swap3A_201 = tpu.vector_load %arg14[%swap3A_200] {strides = array<i32>} : memref<32xi32, #tpu.memory_space<vmem>>, vector<16xi32>,
        tpu.vector_store %arg14[%swap3A_200], %get3A_199 {strides = array<i32>} : memref<32xi32, #tpu.memory_space<vmem>>, vector<16xi32>,
        %mul3A_202 = arith.constant 32 : i32
        %mul3A_203 = arith.muli %add3A_187, %mul3A_202 : i32
        %add3A_204 = arith.constant 16 : i32
        %add3A_205 = arith.addi %mul3A_203, %add3A_204 : i32
        %get3A_206 = arith.index_cast %add3A_205 : i32 to index
        %get3A_207 = tpu.vector_load %arg7[%get3A_206] {strides = array<i32>} : memref<5696xi32, #tpu.memory_space<vmem>>, vector<16xi32>,
        %swap3A_208 = arith.constant 16 : index
        %swap3A_209 = tpu.vector_load %arg14[%swap3A_208] {strides = array<i32>} : memref<32xi32, #tpu.memory_space<vmem>>, vector<16xi32>,
        tpu.vector_store %arg14[%swap3A_208], %get3A_207 {strides = array<i32>} : memref<32xi32, #tpu.memory_space<vmem>>, vector<16xi32>,
      } else {
      }
      %dma_wait3A_170 = arith.constant 0 : i32
      %dma_wait3A_171 = tpu.memref_slice %arg6[%dma_wait3A_170] : memref<5696xi32, #tpu.memory_space<vmem>> -> memref<32xi32, #tpu.memory_space<vmem>>
      %dma_wait3A_172 = arith.constant 0 : i32
      %dma_wait3A_173 = arith.constant 0 : i32
      %dma_wait3A_174 = tpu.memref_slice %arg2[%dma_wait3A_172, %dma_wait3A_173] : memref<10016x288xf32, #tpu.memory_space<hbm>> -> memref<10016x288xf32, #tpu.memory_space<hbm>>
      tpu.wait_indirect_dma semaphore(%arg17 : memref<!tpu.dma_semaphore, #tpu.memory_space<semaphore_mem>>) src(%dma_wait3A_174 : memref<10016x288xf32, #tpu.memory_space<hbm>>) dst(%arg13 : memref<32x288xf32, #tpu.memory_space<vmem>>)
      "tpu.region"() ({
        %run_scoped3A = tpu.sem_alloc : memref<!tpu.dma_semaphore, #tpu.memory_space<semaphore_mem>>
        %dma_start3A_182 = arith.constant 0 : i32
        %dma_start3A_183 = arith.constant 0 : i32
        %dma_start3A_184 = tpu.memref_slice %arg20[%dma_start3A_182, %dma_start3A_183] : memref<5120x288xf32, #tpu.memory_space<vmem_shared>> -> memref<5120x288xf32, #tpu.memory_space<vmem_shared>>
        tpu.enqueue_indirect_dma source(%arg13 : memref<32x288xf32, #tpu.memory_space<vmem>>) target(%dma_start3A_184 : memref<5120x288xf32, #tpu.memory_space<vmem_shared>>) offsets(%arg15 : memref<32xi32, #tpu.memory_space<vmem>>) semaphore(%run_scoped3A : memref<!tpu.dma_semaphore, #tpu.memory_space<semaphore_mem>>) {add = true}
        %dma_wait3A_185 = arith.constant 0 : i32
        %dma_wait3A_186 = arith.constant 0 : i32
        %dma_wait3A_187 = tpu.memref_slice %arg20[%dma_wait3A_185, %dma_wait3A_186] : memref<5120x288xf32, #tpu.memory_space<vmem_shared>> -> memref<5120x288xf32, #tpu.memory_space<vmem_shared>>
        tpu.wait_indirect_dma semaphore(%run_scoped3A : memref<!tpu.dma_semaphore, #tpu.memory_space<semaphore_mem>>) src(%arg13 : memref<32x288xf32, #tpu.memory_space<vmem>>) dst(%dma_wait3A_187 : memref<5120x288xf32, #tpu.memory_space<vmem_shared>>)
        tpu.yield
      }) : () -> ()
      %sub3A_175 = arith.constant 1 : i32
      %sub3A_176 = arith.subi %add3A_138, %sub3A_175 : i32
      %lt3A_177 = arith.cmpi slt, %while3A_158, %sub3A_176 : i32
      %convert_element_type3A_178 = arith.extui %lt3A_177 : i1 to i32
      %cond3A_179 = arith.constant 0 : i32
      %cond3A_180 = arith.cmpi ne, %convert_element_type3A_178, %cond3A_179 : i32
      scf.if %cond3A_180 {
        %mul3A_182 = arith.constant 2 : i32
        %mul3A_183 = arith.muli %while3A_158, %mul3A_182 : i32
        %add3A_184 = arith.constant 1 : i32
        %add3A_185 = arith.addi %mul3A_183, %add3A_184 : i32
        %add3A_186 = arith.constant 2 : i32
        %add3A_187 = arith.addi %add3A_185, %add3A_186 : i32
        %mul3A_188 = arith.constant 32 : i32
        %mul3A_189 = arith.muli %add3A_187, %mul3A_188 : i32
        %dma_start3A_190 = tpu.memref_slice %arg6[%mul3A_189] : memref<5696xi32, #tpu.memory_space<vmem>> -> memref<32xi32, #tpu.memory_space<vmem>>
        %dma_start3A_191 = arith.constant 0 : i32
        %dma_start3A_192 = arith.constant 0 : i32
        %dma_start3A_193 = tpu.memref_slice %arg2[%dma_start3A_191, %dma_start3A_192] : memref<10016x288xf32, #tpu.memory_space<hbm>> -> memref<10016x288xf32, #tpu.memory_space<hbm>>
        tpu.enqueue_indirect_dma source(%dma_start3A_193 : memref<10016x288xf32, #tpu.memory_space<hbm>>) target(%arg13 : memref<32x288xf32, #tpu.memory_space<vmem>>) offsets(%dma_start3A_190 : memref<32xi32, #tpu.memory_space<vmem>>) semaphore(%arg17 : memref<!tpu.dma_semaphore, #tpu.memory_space<semaphore_mem>>)
        %mul3A_194 = arith.constant 32 : i32
        %mul3A_195 = arith.muli %add3A_187, %mul3A_194 : i32
        %add3A_196 = arith.constant 0 : i32
        %add3A_197 = arith.addi %mul3A_195, %add3A_196 : i32
        %get3A_198 = arith.index_cast %add3A_197 : i32 to index
        %get3A_199 = tpu.vector_load %arg7[%get3A_198] {strides = array<i32>} : memref<5696xi32, #tpu.memory_space<vmem>>, vector<16xi32>,
        %swap3A_200 = arith.constant 0 : index
        %swap3A_201 = tpu.vector_load %arg15[%swap3A_200] {strides = array<i32>} : memref<32xi32, #tpu.memory_space<vmem>>, vector<16xi32>,
        tpu.vector_store %arg15[%swap3A_200], %get3A_199 {strides = array<i32>} : memref<32xi32, #tpu.memory_space<vmem>>, vector<16xi32>,
        %mul3A_202 = arith.constant 32 : i32
        %mul3A_203 = arith.muli %add3A_187, %mul3A_202 : i32
        %add3A_204 = arith.constant 16 : i32
        %add3A_205 = arith.addi %mul3A_203, %add3A_204 : i32
        %get3A_206 = arith.index_cast %add3A_205 : i32 to index
        %get3A_207 = tpu.vector_load %arg7[%get3A_206] {strides = array<i32>} : memref<5696xi32, #tpu.memory_space<vmem>>, vector<16xi32>,
        %swap3A_208 = arith.constant 16 : index
        %swap3A_209 = tpu.vector_load %arg15[%swap3A_208] {strides = array<i32>} : memref<32xi32, #tpu.memory_space<vmem>>, vector<16xi32>,
        tpu.vector_store %arg15[%swap3A_208], %get3A_207 {strides = array<i32>} : memref<32xi32, #tpu.memory_space<vmem>>, vector<16xi32>,
      } else {
      }
      %while3A_181 = arith.constant 0 : i32
      scf.yield %while3A_181 : i32
    }
    %barrier3A_150 = arith.constant 0 : index
    tpu.barrier barrier_id(%barrier3A_150)
    %mul3A_151 = arith.constant 313 : i32
    %mul3A_152 = arith.muli %arg1, %mul3A_151 : i32
    %mul3A_153 = arith.constant 5000 : i32
    %mul3A_154 = arith.muli %arg0, %mul3A_153 : i32
    %add3A_155 = arith.addi %mul3A_154, %mul3A_152 : i32
    "tpu.region"() ({
      %run_scoped3A = tpu.sem_alloc : memref<!tpu.dma_semaphore, #tpu.memory_space<semaphore_mem>>
      %dma_start3A_158 = arith.constant 0 : i32
      %dma_start3A_159 = tpu.memref_slice %arg5[%add3A_155, %dma_start3A_158] : memref<10000x288xf32, #tpu.memory_space<hbm>> -> memref<305x288xf32, #tpu.memory_space<hbm>>
      %dma_start3A_160 = arith.constant 0 : i32
      %dma_start3A_161 = tpu.memref_slice %arg20[%mul3A_152, %dma_start3A_160] : memref<5120x288xf32, #tpu.memory_space<vmem_shared>> -> memref<305x288xf32, #tpu.memory_space<vmem_shared>>
      tpu.enqueue_dma source(%dma_start3A_161 : memref<305x288xf32, #tpu.memory_space<vmem_shared>>) target(%dma_start3A_159 : memref<305x288xf32, #tpu.memory_space<hbm>>) target_semaphore(%run_scoped3A : memref<!tpu.dma_semaphore, #tpu.memory_space<semaphore_mem>>)
      %dma_wait3A = arith.constant 0 : i32
      %dma_wait3A_162 = tpu.memref_slice %arg5[%add3A_155, %dma_wait3A] : memref<10000x288xf32, #tpu.memory_space<hbm>> -> memref<305x288xf32, #tpu.memory_space<hbm>>
      %dma_wait3A_163 = arith.constant 0 : i32
      %dma_wait3A_164 = tpu.memref_slice %arg20[%mul3A_152, %dma_wait3A_163] : memref<5120x288xf32, #tpu.memory_space<vmem_shared>> -> memref<305x288xf32, #tpu.memory_space<vmem_shared>>
      tpu.wait_dma2 semaphore(%run_scoped3A : memref<!tpu.dma_semaphore, #tpu.memory_space<semaphore_mem>>) src(%dma_wait3A_164 : memref<305x288xf32, #tpu.memory_space<vmem_shared>>) dst(%dma_wait3A_162 : memref<305x288xf32, #tpu.memory_space<hbm>>)
      tpu.yield
    }) : () -> ()
    %lt3A = arith.constant 15 : i32
    %lt3A_156 = arith.cmpi slt, %arg1, %lt3A : i32
    %convert_element_type3A = arith.extui %lt3A_156 : i1 to i32
    %cond3A = arith.constant 0 : i32
    %cond3A_157 = arith.cmpi ne, %convert_element_type3A, %cond3A : i32
    scf.if %cond3A_157 {
      %add3A_158 = arith.constant 305 : i32
      %add3A_159 = arith.addi %mul3A_152, %add3A_158 : i32
      %mul3A_160 = arith.constant 5000 : i32
      %mul3A_161 = arith.muli %arg0, %mul3A_160 : i32
      %add3A_162 = arith.addi %mul3A_161, %mul3A_152 : i32
      %add3A_163 = arith.constant 305 : i32
      %add3A_164 = arith.addi %add3A_162, %add3A_163 : i32
      "tpu.region"() ({
        %run_scoped3A = tpu.sem_alloc : memref<!tpu.dma_semaphore, #tpu.memory_space<semaphore_mem>>
        %dma_start3A_165 = arith.constant 0 : i32
        %dma_start3A_166 = tpu.memref_slice %arg5[%add3A_164, %dma_start3A_165] : memref<10000x288xf32, #tpu.memory_space<hbm>> -> memref<8x288xf32, #tpu.memory_space<hbm>>
        %dma_start3A_167 = arith.constant 0 : i32
        %dma_start3A_168 = tpu.memref_slice %arg20[%add3A_159, %dma_start3A_167] : memref<5120x288xf32, #tpu.memory_space<vmem_shared>> -> memref<8x288xf32, #tpu.memory_space<vmem_shared>>
        tpu.enqueue_dma source(%dma_start3A_168 : memref<8x288xf32, #tpu.memory_space<vmem_shared>>) target(%dma_start3A_166 : memref<8x288xf32, #tpu.memory_space<hbm>>) target_semaphore(%run_scoped3A : memref<!tpu.dma_semaphore, #tpu.memory_space<semaphore_mem>>)
        %dma_wait3A = arith.constant 0 : i32
        %dma_wait3A_169 = tpu.memref_slice %arg5[%add3A_164, %dma_wait3A] : memref<10000x288xf32, #tpu.memory_space<hbm>> -> memref<8x288xf32, #tpu.memory_space<hbm>>
        %dma_wait3A_170 = arith.constant 0 : i32
        %dma_wait3A_171 = tpu.memref_slice %arg20[%add3A_159, %dma_wait3A_170] : memref<5120x288xf32, #tpu.memory_space<vmem_shared>> -> memref<8x288xf32, #tpu.memory_space<vmem_shared>>
        tpu.wait_dma2 semaphore(%run_scoped3A : memref<!tpu.dma_semaphore, #tpu.memory_space<semaphore_mem>>) src(%dma_wait3A_171 : memref<8x288xf32, #tpu.memory_space<vmem_shared>>) dst(%dma_wait3A_169 : memref<8x288xf32, #tpu.memory_space<hbm>>)
        tpu.yield
      }) : () -> ()
    } else {
    }
    return
  }
}

module attributes {stable_mosaic.version = 14 : i64} {
  func.func @_tc_body(%arg0: i32, %arg1: memref<1000x256xf32, #tpu.memory_space<vmem>>, %arg2: memref<1000x1xf32, #tpu.memory_space<vmem>>, %arg3: memref<1000x256xf32, #tpu.memory_space<vmem>>, %arg4: memref<256x256xf32, #tpu.memory_space<vmem>>, %arg5: memref<1x256xf32, #tpu.memory_space<vmem>>, %arg6: memref<256x256xf32, #tpu.memory_space<vmem>>, %arg7: memref<1x256xf32, #tpu.memory_space<vmem>>, %arg8: memref<1000x256xf32, #tpu.memory_space<vmem>>) attributes {dimension_semantics = [#tpu.dimension_semantics<arbitrary>], iteration_bounds = array<i64: 10>, scalar_prefetch = 0 : i64, scratch_operands = 0 : i64, tpu.core_type = #tpu.core_type<tc>, window_params = [{transform_indices = @transform_0, window_bounds = array<i64: 1000, 256>}, {transform_indices = @transform_1, window_bounds = array<i64: 1000, 1>}, {transform_indices = @transform_2, window_bounds = array<i64: 1000, 256>}, {pipeline_mode = #tpu.pipeline_mode<synchronous>, transform_indices = @transform_3, window_bounds = array<i64: 256, 256>}, {pipeline_mode = #tpu.pipeline_mode<synchronous>, transform_indices = @transform_4, window_bounds = array<i64: 1, 256>}, {pipeline_mode = #tpu.pipeline_mode<synchronous>, transform_indices = @transform_5, window_bounds = array<i64: 256, 256>}, {pipeline_mode = #tpu.pipeline_mode<synchronous>, transform_indices = @transform_6, window_bounds = array<i64: 1, 256>}, {transform_indices = @transform_7, window_bounds = array<i64: 1000, 256>}]} {
    %get3A = arith.constant 0 : index
    %get3A_0 = arith.constant 0 : index
    %get3A_1 = vector.load %arg2[%get3A, %get3A_0] : memref<1000x1xf32, #tpu.memory_space<vmem>>, vector<1000x1xf32>
    %max3A = arith.constant 1.000000e+00 : f32
    %max3A_2 = vector.broadcast %max3A : f32 to vector<1000x1xf32>
    %max3A_3 = arith.maximumf %get3A_1, %max3A_2 : vector<1000x1xf32>
    %div3A = arith.constant 1.000000e+00 : f32
    %div3A_4 = vector.broadcast %div3A : f32 to vector<1000x1xf32>
    %div3A_5 = arith.divf %div3A_4, %max3A_3 : vector<1000x1xf32>
    %get3A_6 = arith.constant 0 : index
    %get3A_7 = arith.constant 0 : index
    %get3A_8 = vector.load %arg1[%get3A_6, %get3A_7] : memref<1000x256xf32, #tpu.memory_space<vmem>>, vector<1000x256xf32>
    %mul3A = vector.broadcast %div3A_5 : vector<1000x1xf32> to vector<1000x256xf32>
    %mul3A_9 = arith.mulf %get3A_8, %mul3A : vector<1000x256xf32>
    %get3A_10 = arith.constant 0 : index
    %get3A_11 = arith.constant 0 : index
    %get3A_12 = vector.load %arg4[%get3A_10, %get3A_11] : memref<256x256xf32, #tpu.memory_space<vmem>>, vector<256x256xf32>
    %dot_general3A = arith.constant dense<0.000000e+00> : vector<1000x256xf32>
    %dot_general3A_13 = tpu.matmul %mul3A_9, %get3A_12, %dot_general3A {dimension_numbers = #tpu.dot_dimension_numbers<[1], [1], [0], [0], [0, 0, 1, 0], [], []>, transpose_lhs_hint = false} : vector<1000x256xf32>, vector<256x256xf32>, vector<1000x256xf32> -> vector<1000x256xf32>
    %get3A_14 = arith.constant 0 : index
    %get3A_15 = arith.constant 0 : index
    %get3A_16 = vector.load %arg5[%get3A_14, %get3A_15] : memref<1x256xf32, #tpu.memory_space<vmem>>, vector<1x256xf32>
    %add3A = vector.broadcast %get3A_16 : vector<1x256xf32> to vector<1000x256xf32>
    %add3A_17 = arith.addf %dot_general3A_13, %add3A : vector<1000x256xf32>
    %get3A_18 = arith.constant 0 : index
    %get3A_19 = arith.constant 0 : index
    %get3A_20 = vector.load %arg3[%get3A_18, %get3A_19] : memref<1000x256xf32, #tpu.memory_space<vmem>>, vector<1000x256xf32>
    %get3A_21 = arith.constant 0 : index
    %get3A_22 = arith.constant 0 : index
    %get3A_23 = vector.load %arg6[%get3A_21, %get3A_22] : memref<256x256xf32, #tpu.memory_space<vmem>>, vector<256x256xf32>
    %dot_general3A_24 = arith.constant dense<0.000000e+00> : vector<1000x256xf32>
    %dot_general3A_25 = tpu.matmul %get3A_20, %get3A_23, %dot_general3A_24 {dimension_numbers = #tpu.dot_dimension_numbers<[1], [1], [0], [0], [0, 0, 1, 0], [], []>, transpose_lhs_hint = false} : vector<1000x256xf32>, vector<256x256xf32>, vector<1000x256xf32> -> vector<1000x256xf32>
    %get3A_26 = arith.constant 0 : index
    %get3A_27 = arith.constant 0 : index
    %get3A_28 = vector.load %arg7[%get3A_26, %get3A_27] : memref<1x256xf32, #tpu.memory_space<vmem>>, vector<1x256xf32>
    %add3A_29 = vector.broadcast %get3A_28 : vector<1x256xf32> to vector<1000x256xf32>
    %add3A_30 = arith.addf %dot_general3A_25, %add3A_29 : vector<1000x256xf32>
    %gt3A = arith.constant 0.000000e+00 : f32
    %gt3A_31 = vector.broadcast %gt3A : f32 to vector<1000x256xf32>
    %gt3A_32 = arith.cmpf ogt, %add3A_17, %gt3A_31 : vector<1000x256xf32>
    %min3A = arith.constant 0.000000e+00 : f32
    %min3A_33 = vector.broadcast %min3A : f32 to vector<1000x256xf32>
    %min3A_34 = arith.minimumf %add3A_17, %min3A_33 : vector<1000x256xf32>
    %exp3A = math.exp %min3A_34 : vector<1000x256xf32>
    %sub3A = arith.constant 1.000000e+00 : f32
    %sub3A_35 = vector.broadcast %sub3A : f32 to vector<1000x256xf32>
    %sub3A_36 = arith.subf %exp3A, %sub3A_35 : vector<1000x256xf32>
    %select_n3A = arith.select %gt3A_32, %add3A_17, %sub3A_36 : vector<1000x256xi1>, vector<1000x256xf32>
    %gt3A_37 = arith.constant 0.000000e+00 : f32
    %gt3A_38 = vector.broadcast %gt3A_37 : f32 to vector<1000x256xf32>
    %gt3A_39 = arith.cmpf ogt, %add3A_30, %gt3A_38 : vector<1000x256xf32>
    %min3A_40 = arith.constant 0.000000e+00 : f32
    %min3A_41 = vector.broadcast %min3A_40 : f32 to vector<1000x256xf32>
    %min3A_42 = arith.minimumf %add3A_30, %min3A_41 : vector<1000x256xf32>
    %exp3A_43 = math.exp %min3A_42 : vector<1000x256xf32>
    %sub3A_44 = arith.constant 1.000000e+00 : f32
    %sub3A_45 = vector.broadcast %sub3A_44 : f32 to vector<1000x256xf32>
    %sub3A_46 = arith.subf %exp3A_43, %sub3A_45 : vector<1000x256xf32>
    %select_n3A_47 = arith.select %gt3A_39, %add3A_30, %sub3A_46 : vector<1000x256xi1>, vector<1000x256xf32>
    %add3A_48 = arith.addf %select_n3A, %select_n3A_47 : vector<1000x256xf32>
    %swap3A = arith.constant 0 : index
    %swap3A_49 = arith.constant 0 : index
    %swap3A_50 = vector.load %arg8[%swap3A, %swap3A_49] : memref<1000x256xf32, #tpu.memory_space<vmem>>, vector<1000x256xf32>
    tpu.vector_store %arg8[%swap3A, %swap3A_49], %add3A_48 {strides = array<i32>} : memref<1000x256xf32, #tpu.memory_space<vmem>>, vector<1000x256xf32>,
    return
  }
  func.func @transform_0(%arg0: i32) -> (i32, i32) {
    %c0_i32 = arith.constant 0 : i32
    %c0_i32_0 = arith.constant 0 : i32
    return %arg0, %c0_i32 : i32, i32
  }
  func.func @transform_1(%arg0: i32) -> (i32, i32) {
    %c0_i32 = arith.constant 0 : i32
    %c0_i32_0 = arith.constant 0 : i32
    return %arg0, %c0_i32 : i32, i32
  }
  func.func @transform_2(%arg0: i32) -> (i32, i32) {
    %c0_i32 = arith.constant 0 : i32
    %c0_i32_0 = arith.constant 0 : i32
    return %arg0, %c0_i32 : i32, i32
  }
  func.func @transform_3(%arg0: i32) -> (i32, i32) {
    %c0_i32 = arith.constant 0 : i32
    %c0_i32_0 = arith.constant 0 : i32
    %c0_i32_1 = arith.constant 0 : i32
    return %c0_i32, %c0_i32_0 : i32, i32
  }
  func.func @transform_4(%arg0: i32) -> (i32, i32) {
    %c0_i32 = arith.constant 0 : i32
    %c0_i32_0 = arith.constant 0 : i32
    %c0_i32_1 = arith.constant 0 : i32
    return %c0_i32, %c0_i32_0 : i32, i32
  }
  func.func @transform_5(%arg0: i32) -> (i32, i32) {
    %c0_i32 = arith.constant 0 : i32
    %c0_i32_0 = arith.constant 0 : i32
    %c0_i32_1 = arith.constant 0 : i32
    return %c0_i32, %c0_i32_0 : i32, i32
  }
  func.func @transform_6(%arg0: i32) -> (i32, i32) {
    %c0_i32 = arith.constant 0 : i32
    %c0_i32_0 = arith.constant 0 : i32
    %c0_i32_1 = arith.constant 0 : i32
    return %c0_i32, %c0_i32_0 : i32, i32
  }
  func.func @transform_7(%arg0: i32) -> (i32, i32) {
    %c0_i32 = arith.constant 0 : i32
    %c0_i32_0 = arith.constant 0 : i32
    return %arg0, %c0_i32 : i32, i32
  }
}

</mosaic_0001>

<sc_bundles>
// kernel: kernel.4.cloned.1.call-start
scs
__scs_entry_jumppad:
0x0: {  	(pc) =	sbr.rel $0x88, $3  }
0x1: {  	(tag) =	ssettag $0x0;
	lr =	simm.s32 $0x1  }
0x2: {  	[smem:$0x3F9B] =	sst lr;
	_ =	strace $0xD0000000  }
0x3: {  	_ = 	snop  }
0x4: {  	_ = 	snop  }
0x5: {  	_ = 	snop  }
0x6: {  	_ = 	snop  }
0x7: {  	_ = 	snop  }
__scs_overlays_trampoline_lowered:
0x8: {  	[smem:$0x3FAA] =	sst s0  }
0x9: {  	[smem:$0x3FAB] =	sst s1  }
0xa: {  	[smem:$0x3FAC] =	sst s2  }
0xb: {  	[smem:$0x3FAD] =	sst s3  }
0xc: {  	[smem:$0x3FAE] =	sst s4  }
0xd: {  	[smem:$0x3FAF] =	sst s5  }
0xe: {  	[smem:$0x3FB0] =	sst s6  }
0xf: {  	[smem:$0x3FB1] =	sst s7  }
0x10: {  	[smem:$0x3FB2] =	sst s8  }
0x11: {  	[smem:$0x3FB3] =	sst s9;
	s0 =	simm.s32 @!p0 $0x0  }
0x12: {  	s1 =	sld [smem:$0x3F99];
	s0 =	simm.s32 @p0 $0x1  }
0x13: {  	[smem:$0x3FB4] =	sst s0;
	s0 =	simm.s32 @!p1 $0x0  }
0x14: {  	s2 =	sld [smem:$0x3F98];
	s0 =	simm.s32 @p1 $0x1  }
0x15: {  	[smem:$0x3FB5] =	sst s0;
	s0 =	simm.s32 @!p2 $0x0  }
0x16: {  	s3 =	sld [smem:$0x3FDB];
	s0 =	simm.s32 @p2 $0x1  }
0x17: {  	s4 =	simm.s32 $0x1BF5;
	[smem:$0x3FB7] =	sst s0  }
0x18: {  	s0 =	sld [smem:$0x3F9A];
	_ =	swait.ge [sflag:s4], $0x0  }
0x19: {  	s7 =	sld [smem:$0x3F9B]  }
0x1a: {  	s8 =	sadd.s32 $0xFFFFE003, lr  }
0x1b: {  	s9 =	sadd.s32 $0xFFFFFEF7, lr;
	s5 =	simm.s32 $0xFFFFFFFF;
	p2 =	slt.u32 s8, $0xFFFFF086  }
0x1c: {  	p1 =	slt.u32 s9, $0xF7A;
	s5 =	simm.s32 @!p2 $0x0  }
0x1d: {  	s5 =	simm.s32 @p1 $0x1;
	p0 =	seq.s32 s7, s2  }
0x1e: {  	s7 =	smul.u32 @!p0 $0xF7A, s2;
	p2 =	seq.s32 @!p0 s5, $0x0  }
0x1f: {  	s9 =	smul.u32 $0xF7A, s1;
	s8 =	simm.s32 @!p0 $0x1BF5;
	p2 =	por !p2, p0  }
0x20: {  	[sflag:s8] =	ssyncset.s32 @!p0 $0xFFFFF086;
	s6 =	sadd.s32 @!p0 s3, s7;
	s7 =	simm.s32 @!p0 $0x108  }
0x21: {  	s3 =	sadd.s32 s3, s9;
	s6 =	sadd.s32 @!p0 $0x88, s6;
	s7 =	simm.s32 @p2 $0x1082  }
0x22: {  	[simem:s7], [sflag:s8] =	dma.local @!p0 [hbm:s6], $0xF7A  }
0x23: {  	s9 =	sor.u32 $0xD0000000, s2;
	s6 =	simm.s32 $0x108;
	_ =	swait.ge @!p0 [sflag:s8], $0x0  }
0x24: {  	s3 =	sadd.s32 $0x88, s3;
	s6 =	simm.s32 @!p1 $0x1082;
	[sflag:s4] =	ssyncset.s32 $0xFFFFF086  }
0x25: {  	[simem:s6], [sflag:s4] =	dma.local [hbm:s3], $0xF7A  }
0x26: {  	[smem:$0x3F9B] =	sst s1;
	(tag) =	ssettag s2;
	_ =	strace s9  }
0x27: {  	s1 =	sld [smem:$0x3FAB]  }
0x28: {  	s2 =	sld [smem:$0x3FAC]  }
0x29: {  	s4 =	sld [smem:$0x3FAE]  }
0x2a: {  	p0 =	seq.s32 s5, $0x0;
	s5 =	sld [smem:$0x3FAF]  }
0x2b: {  	s6 =	sld [smem:$0x3FB0]  }
0x2c: {  	s7 =	sld [smem:$0x3FB1]  }
0x2d: {  	s3 =	simm.s32 $0x108;
	s8 =	sld [smem:$0x3FB2]  }
0x2e: {  	s3 =	simm.s32 @!p0 $0x1082;
	s9 =	sld [smem:$0x3FB3]  }
0x2f: {  	lr =	sadd.s32 s0, s3;
	s0 =	sld [smem:$0x3FAA]  }
0x30: {  	s3 =	sld [smem:$0x3FAD]  }
0x31: {  	[smem:$0x3FB6] =	sst s10  }
0x32: {  	s10 =	sld [smem:$0x3FB4];
	_ =	sdelay $0x3  }
0x33: {  	p0 =	seq.s32 s10, $0x1;
	s10 =	sld [smem:$0x3FB6];
	_ =	sdelay $0x3  }
0x34: {  	[smem:$0x3FB6] =	sst s10  }
0x35: {  	s10 =	sld [smem:$0x3FB5];
	_ =	sdelay $0x3  }
0x36: {  	p1 =	seq.s32 s10, $0x1;
	s10 =	sld [smem:$0x3FB6];
	_ =	sdelay $0x3  }
0x37: {  	[smem:$0x3FB6] =	sst s10  }
0x38: {  	s10 =	sld [smem:$0x3FB7]  }
0x39: {  	_ = 	snop;
	(pc) =	sbr.ind lr, $3  }
0x3a: {  	_ = 	snop  }
0x3b: {  	_ = 	snop  }
0x3c: {  	p2 =	seq.s32 s10, $0x1;
	s10 =	sld [smem:$0x3FB6]  }
0x3d: {  	_ =	shalt  }
0x3e: {  	_ =	shalt  }
0x3f: {  	_ =	shalt  }
0x40: {  	_ =	shalt  }
0x41: {  	_ =	shalt  }
0x42: {  	_ =	shalt  }
0x43: {  	_ =	shalt  }
0x44: {  	_ =	shalt  }
0x45: {  	_ =	shalt  }
0x46: {  	_ =	shalt  }
0x47: {  	_ =	shalt  }
0x48: {  	_ =	shalt  }
0x49: {  	_ =	shalt  }
0x4a: {  	_ =	shalt  }
0x4b: {  	_ =	shalt  }
0x4c: {  	_ =	shalt  }
0x4d: {  	_ =	shalt  }
0x4e: {  	_ =	shalt  }
0x4f: {  	_ =	shalt  }
0x50: {  	_ =	shalt  }
0x51: {  	_ =	shalt  }
0x52: {  	_ =	shalt  }
0x53: {  	_ =	shalt  }
0x54: {  	_ =	shalt  }
0x55: {  	_ =	shalt  }
0x56: {  	_ =	shalt  }
0x57: {  	_ =	shalt  }
0x58: {  	_ =	shalt  }
0x59: {  	_ =	shalt  }
0x5a: {  	_ =	shalt  }
0x5b: {  	_ =	shalt  }
0x5c: {  	_ =	shalt  }
0x5d: {  	_ =	shalt  }
0x5e: {  	_ =	shalt  }
0x5f: {  	_ =	shalt  }
0x60: {  	_ =	shalt  }
0x61: {  	_ =	shalt  }
0x62: {  	_ =	shalt  }
0x63: {  	_ =	shalt  }
0x64: {  	_ =	shalt  }
0x65: {  	_ =	shalt  }
0x66: {  	_ =	shalt  }
0x67: {  	_ =	shalt  }
0x68: {  	_ =	shalt  }
0x69: {  	_ =	shalt  }
0x6a: {  	_ =	shalt  }
0x6b: {  	_ =	shalt  }
0x6c: {  	_ =	shalt  }
0x6d: {  	_ =	shalt  }
0x6e: {  	_ =	shalt  }
0x6f: {  	_ =	shalt  }
0x70: {  	_ =	shalt  }
0x71: {  	_ =	shalt  }
0x72: {  	_ =	shalt  }
0x73: {  	_ =	shalt  }
0x74: {  	_ =	shalt  }
0x75: {  	_ =	shalt  }
0x76: {  	_ =	shalt  }
0x77: {  	_ =	shalt  }
0x78: {  	_ =	shalt  }
0x79: {  	_ =	shalt  }
0x7a: {  	_ =	shalt  }
0x7b: {  	_ =	shalt  }
0x7c: {  	_ =	shalt  }
0x7d: {  	_ =	shalt  }
0x7e: {  	_ =	shalt  }
0x7f: {  	_ =	shalt  }
0x80: {  	_ =	shalt  }
0x81: {  	_ =	shalt  }
0x82: {  	_ =	shalt  }
0x83: {  	_ =	shalt  }
0x84: {  	_ =	shalt  }
0x85: {  	_ =	shalt  }
0x86: {  	_ =	shalt  }
0x87: {  	_ =	shalt  }
.Lfunc_end0:
.L_simem_size_0:
called_computation_lowered:
.L_overlay_start_0:
0x88: {  	s2 =	sld [smem:$0x3FD9]  }
0x89: {  	s3 =	sld [smem:$0x3FFE];
	_ =	sdelay $0x1  }
0x8a: {  	s1 =	srdreg.scid  }
0x8b: {  	s0 =	sand.u32 $0x1, s1  }
0x8c: {  	s17 =	sshll.u32 s0, $0xA;
	s2 =	sadd.s32 s3, s2  }
0x8d: {  	s2 =	sadd.s32 s2, s17  }
0x8e: {  	[smem:$0x3FC2] =	sst s2  }
0x8f: {  	_ = 	snop  }
0x90: {  	s2 =	sld [smem:$0x3FD0];
	(tm) =	ssettm $0x1  }
0x91: {  	s18 =	sld [smem:$0x3FFB];
	_ =	sdelay $0x3  }
0x92: {  	_ =	strace s18  }
0x93: {  	s3 =	sld [smem:$0x3FFC];
	_ =	sdelay $0x3  }
0x94: {  	_ =	strace s3  }
0x95: {  	s3 =	sld [smem:$0x3FFD];
	_ =	sdelay $0x3  }
0x96: {  	_ =	strace s3  }
0x97: {  	_ =	strace $0x8FFFFFFF  }
0x98: {  	s19 =	sld [smem:$0x3FDB];
	_ =	sdelay $0x1  }
0x99: {  	s4 =	simm.s32 $_scs_section_size  }
0x9a: {  	s5 =	simm.s32 $_size__tile_overlayer_lowered;
	s6 =	simm.s32 $_tile_overlayer_lowered  }
0x9b: {  	s22 =	simm.s32 $0x1BFF;
	s21 =	sshll.u32 s6, $0x1;
	s3 =	sadd.s32 s4, s19  }
0x9c: {  	s7 =	simm.s32 $0x0;
	s20 =	sshll.u32 s5, $0x1;
	s5 =	sadd.s32 s21, s3  }
0x9d: {  	[timem:s7], [sflag:s22] =	dma.local [hbm:s5], s20  }
0x9e: {  	_ =	swait.ge [sflag:s22], s20  }
0x9f: {  	s4 =	ssub.s32 $0x0, s20;
	[sflag:s22] =	ssyncset.done $0x0  }
0xa0: {  	[sflag:s22] =	ssyncadd.s32 s4;
	_ =	sdelay $0x1  }
0xa1: {  	s23 =	simm.s32 $0x1B8B  }
0xa2: {  	_ =	swait.ge [sflag:s23], $0x1  }
0xa3: {  	[sflag:s23] =	ssyncset.done $0x0  }
0xa4: {  	s25 =	simm.s32 $0x1B8E;
	s24 =	sld [smem:$0x3FFE];
	[sflag:s23] =	ssyncadd.s32 $0xFFFFFFFF  }
0xa5: {  	s26 =	simm.s32 $execute0_lowered;
	[smem:$0x3FD2] =	sst s25  }
0xa6: {  	s5 =	sshll.u32 s26, $0x1;
	_ =	strace $0x80000046;
	[dreg:$0x1] =	wrdreg $0xFFFFFFFF  }
0xa7: {  	s28 =	simm.s32 $_size_execute0_lowered;
	s3 =	sadd.s32 s3, s5;
	[dreg:$0x0] =	wrdreg $0x0  }
0xa8: {  	s5 =	sshll.u32 s28, $0x1;
	[dreg:$0x2] =	wrdreg s3  }
0xa9: {  	[dreg:$0x3] =	wrdreg s5  }
0xaa: {  	[dreg:$0x4] =	wrdreg $0xC0  }
0xab: {  	_ =	task [dreg:s7], $0x5FFFF  }
0xac: {  	[dreg:$0x1] =	wrdreg $0xFFFFFFFF  }
0xad: {  	[dreg:$0x0] =	wrdreg $0x60  }
0xae: {  	[dreg:$0x2] =	wrdreg s24  }
0xaf: {  	[dreg:$0x3] =	wrdreg s2  }
0xb0: {  	[dreg:$0x4] =	wrdreg $0x7CC00  }
0xb1: {  	[dreg:$0x5] =	wrdreg $0x9  }
0xb2: {  	_ =	task.clear_ibuf [dreg:s7], $0x6FFFF;
	_ =	strace $0x90000046  }
0xb3: {  	s29 =	simm.s32 $0x9;
	_ =	strace $0x80000048  }
0xb4: {  	_ =	swait.ge [sflag:s29], $0x1  }
0xb5: {  	[sflag:s29] =	ssyncadd.s32 $0xFFFFFFFF  }
0xb6: {  	_ =	strace $0x90000048  }
0xb7: {  	_ =	sfence  }
0xb8: {  	s30 =	sld [smem:$0x0];
	_ =	sdelay $0x2  }
0xb9: {  	s31 =	sshll.u32 s1, $0xD;
	s1 =	sshrl.u32 s1, $0x2  }
0xba: {  	s3 =	sand.u32 $0x4000, s31;
	s1 =	sadd.s32 s1, s30  }
0xbb: {  	s0 =	sor.u32 s3, s0;
	s1 =	sshll.u32 s1, $0x11  }
0xbc: {  	s0 =	sor.u32 s1, s0  }
0xbd: {  	s0 =	sadd.s32 $0x8F2B, s0  }
0xbe: {  	[sflag:s0] =	ssyncadd.remote.s32 $0x1  }
0xbf: {  	_ =	sfence.sel $0xFFFF  }
0xc0: {  	[dreg:$0x0] =	wrdreg $0xFFFFFFFF;
	(pc) =	sbr.abs _section_cstart, $3  }
0xc1: {  	[dreg:$0x1] =	wrdreg $0xFFFFFFFF  }
0xc2: {  	_ =	task.clear_ibuf [dreg:s7], $0x2FFFF;
	_ =	strace $0x9FFFFFFF  }
0xc3: {  	(tm) =	ssettm $0x7FFFFFFF  }
tec
execute0_lowered:
.L_overlay_start_1:
0x0: {  	(tag) =	ssettag $0x1  }
0x1: {  	s0 =	rddreg [dreg:$0x0]  }
0x2: {  	s1 =	rddreg [dreg:$0x1]  }
0x3: {  	s2 =	rddreg [dreg:$0x2];
	s3 =	simm.s32 $0x0;
	s4 =	srdreg.scid  }
0x4: {  	s14 =	stileid.u32;
	s28 =	simm.s32 $0x5;
	s31 =	simm.s32 $0x3  }
0x5: {  	s29 =	simm.s32 $0x3280;
	s30 =	simm.s32 $0x1640;
	s7 =	smul.u32 $0x5A000, s14  }
0x6: {  	[smem:$0x7FF] =	sst s3;
	s4 =	sand.u32 $0x1, s4;
	s9 =	smul.u32 $0x2800, s14  }
0x7: {  	s5 =	sadd.s32 $0x1400, s0;
	s15 =	smul.u32 $0x139, s14;
	s8 =	ssub.s32 $0x2, s4  }
0x8: {  	s6 =	sadd.s32 $0x59600, s0;
	s4 =	smul.u32 $0x1388, s4;
	s10 =	sshrl.u32 s8, $0x1  }
0x9: {  	s7 =	sshrl.u32 s7, $0x2;
	s23 =	sshrl.u32 s9, $0x3;
	s8 =	ssub.s32 s8, s10  }
0xa: {  	s7 =	sadd.s32 s7, s2;
	s10 =	sadd.s32 s15, s4;
	s15 =	sadd.s32 s1, s23  }
0xb: {  	_ =	strace $0x80000047;
	s11 =	sadd.s32 $0x2400, s7;
	[dreg:$0xc] =	wrdreg s15  }
0xc: {  	s0 =	sadd.s32 $0x5E600, s0;
	s16 =	sadd.s32 $0x4800, s7;
	[dreg:$0x4] =	wrdreg s11  }
0xd: {  	s13 =	smul.u32 $0x58080, s14;
	s17 =	sadd.s32 $0x6C00, s7;
	[dreg:$0x5] =	wrdreg s16  }
0xe: {  	p0 =	seq.s32 s14, $0xF;
	s18 =	sadd.s32 $0x9000, s7;
	[dreg:$0x6] =	wrdreg s17  }
0xf: {  	s24 =	sshrl.u32 s13, $0x2;
	s19 =	sadd.s32 $0xB400, s7;
	[dreg:$0x7] =	wrdreg s18  }
0x10: {  	v0 =	vmov s4;
	s4 =	simm.s32 $0x4;
	s20 =	sadd.s32 $0xD800, s7;
	[dreg:$0x8] =	wrdreg s19  }
0x11: {  	s21 =	sadd.s32 $0xFC00, s7;
	s22 =	smul.u32 $0x24, s10;
	[dreg:$0x9] =	wrdreg s20  }
0x12: {  	s12 =	sadd.s32 $0x12000, s7;
	s10 =	smul.u32 $0x120, s10;
	[dreg:$0xa] =	wrdreg s21  }
0x13: {  	s26 =	smax.u32 s8, $0x1;
	s8 =	simm.s32 $0x20;
	[dreg:$0xb] =	wrdreg s12  }
0x14: {  	s12 =	sadd.s32 s6, s23;
	s18 =	sor.u32 $0x200, s9;
	s19 =	sor.u32 $0x400, s9  }
0x15: {  	s21 =	sadd.s32 s24, s2;
	[dreg:$0x10] =	wrdreg s26;
	s26 =	simm.s32 $0x3480  }
.Ltmp0:
0x16: {  	[dreg:$0xd] =	wrdreg s12;
	s11 =	sadd.s32 s0, s22;
	(pc) =	sbr.rel .LBB2_1-.Ltmp0, $4  }
0x17: {  	s25 =	sshrl.u32 s10, $0x3;
	s9 =	sadd.s32 $0x15720, s21;
	s10 =	simm.s32 $0x7C80  }
0x18: {  	[dreg:$0xe] =	wrdreg s11;
	s0 =	sadd.s32 s0, s25;
	s24 =	sshrl.u32 @!p0 s9, $0x3  }
0x19: {  	v1 =	vimm.f32 $0.0e+00;
	v3 =	vlaneseq.u32;
	s25 =	sadd.s32 $0x14400, s7;
	s9 =	simm.s32 $0x1;
	s0 =	sadd.s32 $0x2AE4, s0  }
0x1a: {  	v2 =	vimm.s32 $0x2718;
	v4 =	vimm.s32 $0x0;
	v3 =	vadd.s32 $0x1388, v3;
	s11 =	simm.s32 $0x0;
	[dreg:$0xf] =	wrdreg s0;
	s0 =	simm.s32 $0x2E80  }
.LBB2_14:
0x1b: {  	[tilespmem:$0x7CB0] =	vst @!p1 v5  }
.LBB2_15:
0x1c: {  	s12 =	stileid.u32  }
0x1d: {  	[bflag:$0x0] =	sbarrier.arrive $0xFFFF;
	s12 =	sshll.u32 s12, $0x6  }
0x1e: {  	s13 =	sshrl.u32 s21, $0x3;
	s14 =	rddreg [dreg:$0xe];
	s12 =	sor.u32 $0x1C05, s12  }
0x1f: {  	[hbm:s14], [sflag:s12] =	dma.local [spmem:s13], $0x2AE4  }
0x20: {  	_ =	swait.ge [sflag:s28], $0x2AE4  }
0x21: {  	[sflag:s28] =	ssyncset.done $0x0  }
0x22: {  	s13 =	rddreg [dreg:$0xf];
	[sflag:s28] =	ssyncadd.s32 $0xFFFFD51C  }
0x23: {  	[hbm:s13], [sflag:s12] =	dma.local @!p0 [spmem:s24], $0x120  }
0x24: {  	s12 =	simm.s32 @!p0 $0x5  }
0x25: {  	_ =	swait.ge @!p0 [sflag:s12], $0x120  }
0x26: {  	s11 =	sadd.s32 $0x1, s11;
	s23 =	rddreg [dreg:$0x10]  }
0x27: {  	p1 =	sne.s32 s11, s23  }
.Ltmp1:
0x28: {  	_ = 	snop;
	(pc) =	sbr.rel @!p1 .LBB2_16-.Ltmp1, $3  }
0x29: {  	_ =	sdelay $0x1  }
0x2a: {  	[sflag:s12] =	ssyncset.done @!p0 $0x0  }
0x2b: {  	[sflag:s12] =	ssyncadd.s32 @!p0 $0xFFFFFEE0  }
.LBB2_1:
0x2c: {  	s12 =	simm.s32 $0x0;
	s13 =	simm.s32 $0x480  }
.LBB2_2:
0x2d: {  	p1 =	sne.s32 s13, $0x8B80;
	[tilespmem:s12+$0x3590] =	vst v1  }
0x2e: {  	[tilespmem:s12+$0x3480] =	vst v1  }
0x2f: {  	[tilespmem:s12+$0x3490] =	vst v1  }
0x30: {  	[tilespmem:s12+$0x34A0] =	vst v1  }
0x31: {  	[tilespmem:s12+$0x34B0] =	vst v1  }
0x32: {  	[tilespmem:s12+$0x34C0] =	vst v1  }
0x33: {  	[tilespmem:s12+$0x34D0] =	vst v1  }
0x34: {  	[tilespmem:s12+$0x34E0] =	vst v1  }
0x35: {  	[tilespmem:s12+$0x34F0] =	vst v1  }
0x36: {  	[tilespmem:s12+$0x3500] =	vst v1  }
0x37: {  	[tilespmem:s12+$0x3510] =	vst v1  }
0x38: {  	[tilespmem:s12+$0x3520] =	vst v1  }
0x39: {  	[tilespmem:s12+$0x3530] =	vst v1  }
.Ltmp2:
0x3a: {  	[tilespmem:s12+$0x3540] =	vst v1;
	(pc) =	sbr.rel @p1 .LBB2_2-.Ltmp2, $4  }
0x3b: {  	[tilespmem:s12+$0x3550] =	vst v1  }
0x3c: {  	[tilespmem:s12+$0x3560] =	vst v1  }
0x3d: {  	[tilespmem:s12+$0x3570] =	vst v1  }
0x3e: {  	[tilespmem:s12+$0x3580] =	vst v1;
	s12 =	sshra.s32 s13, $0x2;
	s13 =	sadd.s32 $0x480, s13  }
0x3f: {  	[tilespmem:s12+$0x3590] =	vst v1  }
0x40: {  	[tilespmem:s12+$0x3480] =	vst v1  }
0x41: {  	[tilespmem:s12+$0x3490] =	vst v1  }
0x42: {  	[tilespmem:s12+$0x34A0] =	vst v1  }
0x43: {  	[tilespmem:s12+$0x34B0] =	vst v1  }
0x44: {  	[tilespmem:s12+$0x34C0] =	vst v1  }
0x45: {  	[tilespmem:s12+$0x34D0] =	vst v1  }
0x46: {  	[tilespmem:s12+$0x34E0] =	vst v1  }
0x47: {  	[tilespmem:s12+$0x34F0] =	vst v1  }
0x48: {  	[tilespmem:s12+$0x3500] =	vst v1  }
0x49: {  	[tilespmem:s12+$0x3510] =	vst v1  }
0x4a: {  	[tilespmem:s12+$0x3520] =	vst v1  }
0x4b: {  	[tilespmem:s12+$0x3530] =	vst v1  }
0x4c: {  	[tilespmem:s12+$0x3540] =	vst v1  }
0x4d: {  	[tilespmem:s12+$0x3550] =	vst v1  }
0x4e: {  	[tilespmem:s12+$0x3560] =	vst v1  }
0x4f: {  	[tilespmem:s12+$0x3570] =	vst v1  }
0x50: {  	[tilespmem:s12+$0x3580] =	vst v1  }
0x51: {  	[spmem:s7] =	stream.linear.scatter [tilespmem:s26], [sflag:$0x5], $0x2400, $0x38;
	[tilespmem:$0x1E4C0] =	vst v63  }
0x52: {  	_ =	swait.ge [sflag:s28], $0x2400  }
0x53: {  	[sflag:s28] =	ssyncset.done $0x0  }
0x54: {  	s13 =	rddreg [dreg:$0x4];
	[sflag:s28] =	ssyncadd.s32 $0xFFFFDC00  }
0x55: {  	[spmem:s13] =	stream.linear.scatter [tilespmem:s26], [sflag:$0x5], $0x2400, $0x38;
	[tilespmem:$0x1E4C0] =	vst v63  }
0x56: {  	_ =	swait.ge [sflag:s28], $0x2400  }
0x57: {  	[sflag:s28] =	ssyncset.done $0x0  }
0x58: {  	s14 =	rddreg [dreg:$0x5];
	[sflag:s28] =	ssyncadd.s32 $0xFFFFDC00  }
0x59: {  	[spmem:s14] =	stream.linear.scatter [tilespmem:s26], [sflag:$0x5], $0x2400, $0x38;
	[tilespmem:$0x1E4C0] =	vst v63  }
0x5a: {  	_ =	swait.ge [sflag:s28], $0x2400  }
0x5b: {  	[sflag:s28] =	ssyncset.done $0x0  }
0x5c: {  	s15 =	rddreg [dreg:$0x6];
	[sflag:s28] =	ssyncadd.s32 $0xFFFFDC00  }
0x5d: {  	[spmem:s15] =	stream.linear.scatter [tilespmem:s26], [sflag:$0x5], $0x2400, $0x38;
	[tilespmem:$0x1E4C0] =	vst v63  }
0x5e: {  	_ =	swait.ge [sflag:s28], $0x2400  }
0x5f: {  	[sflag:s28] =	ssyncset.done $0x0  }
0x60: {  	s16 =	rddreg [dreg:$0x7];
	[sflag:s28] =	ssyncadd.s32 $0xFFFFDC00  }
0x61: {  	[spmem:s16] =	stream.linear.scatter [tilespmem:s26], [sflag:$0x5], $0x2400, $0x38;
	[tilespmem:$0x1E4C0] =	vst v63  }
0x62: {  	_ =	swait.ge [sflag:s28], $0x2400  }
0x63: {  	[sflag:s28] =	ssyncset.done $0x0  }
0x64: {  	s17 =	rddreg [dreg:$0x8];
	[sflag:s28] =	ssyncadd.s32 $0xFFFFDC00  }
0x65: {  	[spmem:s17] =	stream.linear.scatter [tilespmem:s26], [sflag:$0x5], $0x2400, $0x38;
	[tilespmem:$0x1E4C0] =	vst v63  }
0x66: {  	_ =	swait.ge [sflag:s28], $0x2400  }
0x67: {  	[sflag:s28] =	ssyncset.done $0x0  }
0x68: {  	s20 =	rddreg [dreg:$0x9];
	[sflag:s28] =	ssyncadd.s32 $0xFFFFDC00  }
0x69: {  	[spmem:s20] =	stream.linear.scatter [tilespmem:s26], [sflag:$0x5], $0x2400, $0x38;
	[tilespmem:$0x1E4C0] =	vst v63  }
0x6a: {  	_ =	swait.ge [sflag:s28], $0x2400  }
0x6b: {  	[sflag:s28] =	ssyncset.done $0x0  }
0x6c: {  	s22 =	rddreg [dreg:$0xa];
	[sflag:s28] =	ssyncadd.s32 $0xFFFFDC00  }
0x6d: {  	[spmem:s22] =	stream.linear.scatter [tilespmem:s26], [sflag:$0x5], $0x2400, $0x38;
	[tilespmem:$0x1E4C0] =	vst v63  }
0x6e: {  	_ =	swait.ge [sflag:s28], $0x2400  }
0x6f: {  	[sflag:s28] =	ssyncset.done $0x0  }
0x70: {  	s23 =	rddreg [dreg:$0xb];
	[sflag:s28] =	ssyncadd.s32 $0xFFFFDC00  }
0x71: {  	[spmem:s23] =	stream.linear.scatter [tilespmem:s26], [sflag:$0x5], $0x2400, $0x38;
	[tilespmem:$0x1E4C0] =	vst v63  }
0x72: {  	_ =	swait.ge [sflag:s28], $0x2400  }
0x73: {  	[sflag:s28] =	ssyncset.done $0x0  }
0x74: {  	[sflag:s28] =	ssyncadd.s32 $0xFFFFDC00  }
0x75: {  	[spmem:s25] =	stream.linear.scatter [tilespmem:s26], [sflag:$0x5], $0x2400, $0x38;
	[tilespmem:$0x1E4C0] =	vst v63  }
0x76: {  	_ =	swait.ge [sflag:s28], $0x2400  }
0x77: {  	[sflag:s28] =	ssyncset.done $0x0  }
0x78: {  	s12 =	simm.s32 $0x40;
	s13 =	simm.s32 $0x0;
	[sflag:s28] =	ssyncadd.s32 $0xFFFFDC00  }
.LBB2_4:
0x79: {  	p1 =	sne.s32 s12, $0x58C0;
	[tilespmem:s13+$0x0] =	vst v2;
	s14 =	smov.u32 s12;
	s12 =	sadd.s32 $0x40, s12  }
.Ltmp3:
0x7a: {  	[tilespmem:s13+$0x1640] =	vst v3;
	(pc) =	sbr.rel @p1 .LBB2_4-.Ltmp3, $2  }
0x7b: {  	_ =	sdelay $0x2  }
0x7c: {  	s13 =	sshra.s32 s14, $0x2  }
0x7d: {  	[tilespmem:s13+$0x0] =	vst v2;
	s20 =	rddreg [dreg:$0xc]  }
0x7e: {  	[tilespmem:s13+$0x1640] =	vst v3;
	s12 =	simm.s32 $0x0;
	s14 =	simm.s32 $0x2C80;
	s22 =	rddreg [dreg:$0xd]  }
0x7f: {  	[tilespmem:s14], [sflag:$0x3] =	stream.linear.gather [hbm4b:s20+s12], $0x200, $0x38;
	[tilespmem:$0x1E4C0] =	vst v63  }
0x80: {  	s23 =	simm.s32 $0x3080;
	s13 =	simm.s32 $0x0;
	s14 =	simm.s32 $0x0  }
0x81: {  	[tilespmem:s23], [sflag:$0x3] =	stream.linear.gather [hbm4b:s22+s12], $0x200, $0x38;
	[tilespmem:$0x1E4C0] =	vst v63  }
.LBB2_6:
0x82: {  	_ =	swait.ge [sflag:s31], $0x200  }
0x83: {  	[sflag:s31] =	ssyncset.done $0x0  }
0x84: {  	s15 =	sshll.u32 s13, $0xA;
	[sflag:s31] =	ssyncadd.s32 $0xFFFFFE00  }
0x85: {  	s16 =	sadd.s32 s15, s18;
	_ =	swait.ge [sflag:s31], $0x200  }
0x86: {  	s16 =	sshrl.u32 s16, $0x3;
	[sflag:s31] =	ssyncset.done $0x0  }
0x87: {  	s17 =	sadd.s32 s1, s16;
	[sflag:s31] =	ssyncadd.s32 $0xFFFFFE00  }
0x88: {  	[tilespmem:s0], [sflag:$0x4] =	stream.linear.gather [hbm4b:s17+s12], $0x200, $0x38;
	[tilespmem:$0x1E4C0] =	vst v63  }
0x89: {  	s23 =	simm.s32 $0x0;
	s16 =	sadd.s32 s6, s16  }
0x8a: {  	[tilespmem:s29], [sflag:$0x4] =	stream.linear.gather [hbm4b:s16+s12], $0x200, $0x38;
	[tilespmem:$0x1E4C0] =	vst v63  }
0x8b: {  	v5 =	vld [tilespmem:s23+$0x3080];
	_ =	sdelay $0x4  }
0x8c: {  	v6 =	vsub.s32 v5, v0  }
0x8d: {  	vm0 =	vge.s32 v5, v0;
	vm1 =	vlt.s32 v6, $0x1388  }
0x8e: {  	vm0 =	vmand vm0, vm1  }
0x8f: {  	v5 =	vsel vm0, $0x1, v4  }
0x90: {  	(xrf0) =	vadd.scan.msk.s32 $0xffff, v5;
	_ =	sdelay $0x2  }
0x91: {  	v5 =	vmov s14  }
0x92: {  	v5 =	vadd.s32 $0xFFFFFFFF, v5  }
0x93: {  	v5 =	vbroadcast v5, $0x0  }
0x94: {  	v7, _, _ =	vpop (xrf0)  }
0x95: {  	v8 =	vld [tilespmem:s23+$0x2C80];
	v5 =	vadd.s32 v7, v5;
	(v2sf) =	vpush v7, $0xF;
	_ =	sdelay $0x4  }
0x96: {  	[tilespmem:v5+s3+$0x0] =	vst.idx.msk vm0, v8  }
0x97: {  	s17 =	simm.s32 $0x80;
	s16 =	simm.s32 $0x10;
	[tilespmem:v5+s30+$0x0] =	vst.idx.msk vm0, v6  }
.LBB2_7:
0x98: {  	p1 =	sne.s32 s17, $0x7C0;
	v5 =	vld [tilespmem:s16+$0x3080];
	_ =	sdelay $0x4  }
0x99: {  	v6 =	vsub.s32 v5, v0  }
0x9a: {  	vm0 =	vge.s32 v5, v0;
	vm1 =	vlt.s32 v6, $0x1388  }
0x9b: {  	vm0 =	vmand vm0, vm1  }
0x9c: {  	v5 =	vsel vm0, $0x1, v4;
	s20 =	spop (v2sf)  }
0x9d: {  	(xrf0) =	vadd.scan.msk.s32 $0xffff, v5;
	s14 =	sadd.s32 s14, s20  }
0x9e: {  	v5 =	vmov s14  }
0x9f: {  	v5 =	vadd.s32 $0xFFFFFFFF, v5  }
0xa0: {  	v5 =	vbroadcast v5, $0x0;
	_ =	sdelay $0x2  }
0xa1: {  	v7, _, _ =	vpop (xrf0)  }
0xa2: {  	v8 =	vld [tilespmem:s16+$0x2C80];
	v5 =	vadd.s32 v7, v5;
	(v2sf) =	vpush v7, $0xF;
	_ =	sdelay $0x1  }
.Ltmp4:
0xa3: {  	(pc) =	sbr.rel @p1 .LBB2_7-.Ltmp4, $3  }
0xa4: {  	_ =	sdelay $0x1  }
0xa5: {  	[tilespmem:v5+s3+$0x0] =	vst.idx.msk vm0, v8  }
0xa6: {  	s16 =	sshra.s32 s17, $0x2;
	s17 =	sadd.s32 $0x40, s17;
	[tilespmem:v5+s30+$0x0] =	vst.idx.msk vm0, v6  }
0xa7: {  	v5 =	vld [tilespmem:s16+$0x3080];
	_ =	sdelay $0x4  }
0xa8: {  	v6 =	vsub.s32 v5, v0  }
0xa9: {  	vm0 =	vge.s32 v5, v0;
	vm1 =	vlt.s32 v6, $0x1388  }
0xaa: {  	vm0 =	vmand vm0, vm1  }
0xab: {  	v5 =	vsel vm0, $0x1, v4  }
0xac: {  	(xrf0) =	vadd.scan.msk.s32 $0xffff, v5;
	_ =	sdelay $0x5  }
0xad: {  	v5, _, _ =	vpop (xrf0)  }
0xae: {  	(v2sf) =	vpush v5, $0xF;
	_ =	sdelay $0x2  }
0xaf: {  	s17 =	spop (v2sf)  }
0xb0: {  	s14 =	sadd.s32 s14, s17  }
0xb1: {  	v7 =	vmov s14  }
0xb2: {  	v7 =	vadd.s32 $0xFFFFFFFF, v7  }
0xb3: {  	v7 =	vbroadcast v7, $0x0;
	_ =	sdelay $0x1  }
0xb4: {  	v8 =	vld [tilespmem:s16+$0x2C80];
	v5 =	vadd.s32 v5, v7;
	_ =	sdelay $0x4  }
0xb5: {  	[tilespmem:v5+s3+$0x0] =	vst.idx.msk vm0, v8  }
0xb6: {  	[tilespmem:v5+s30+$0x0] =	vst.idx.msk vm0, v6;
	s16 =	spop (v2sf)  }
0xb7: {  	_ =	swait.ge [sflag:s4], $0x200  }
0xb8: {  	[sflag:s4] =	ssyncset.done $0x0  }
0xb9: {  	p1 =	sgt.u32 s13, $0x8;
	[sflag:s4] =	ssyncadd.s32 $0xFFFFFE00  }
0xba: {  	s15 =	sadd.s32 @!p1 s15, s19;
	_ =	swait.ge [sflag:s4], $0x200  }
0xbb: {  	s20 =	simm.s32 @!p1 $0x0;
	s15 =	sshrl.u32 @!p1 s15, $0x3;
	[sflag:s4] =	ssyncset.done $0x0  }
0xbc: {  	s22 =	simm.s32 @!p1 $0x2C80;
	s17 =	sadd.s32 @!p1 s1, s15;
	[sflag:s4] =	ssyncadd.s32 $0xFFFFFE00  }
0xbd: {  	[tilespmem:s22], [sflag:$0x3] =	stream.linear.gather @!p1 [hbm4b:s17+s20], $0x200, $0x38;
	[tilespmem:$0x1E4C0] =	vst v63  }
0xbe: {  	s23 =	simm.s32 $0x0;
	s15 =	sadd.s32 @!p1 s6, s15;
	s17 =	simm.s32 @!p1 $0x3080  }
0xbf: {  	[tilespmem:s17], [sflag:$0x3] =	stream.linear.gather @!p1 [hbm4b:s15+s20], $0x200, $0x38;
	[tilespmem:$0x1E4C0] =	vst v63  }
0xc0: {  	v5 =	vld [tilespmem:s23+$0x3280];
	_ =	sdelay $0x4  }
0xc1: {  	v6 =	vsub.s32 v5, v0  }
0xc2: {  	vm14 =	vge.s32 v5, v0;
	vm15 =	vlt.s32 v6, $0x1388  }
0xc3: {  	vm0 =	vmand vm14, vm15  }
0xc4: {  	v5 =	vsel vm0, $0x1, v4  }
0xc5: {  	(xrf0) =	vadd.scan.msk.s32 $0xffff, v5;
	_ =	sdelay $0x1  }
0xc6: {  	s14 =	sadd.s32 s14, s16  }
0xc7: {  	v5 =	vmov s14  }
0xc8: {  	v5 =	vadd.s32 $0xFFFFFFFF, v5  }
0xc9: {  	v5 =	vbroadcast v5, $0x0  }
0xca: {  	v7, _, _ =	vpop (xrf0)  }
0xcb: {  	v63 =	vld [tilespmem:s23+$0x2E80];
	v5 =	vadd.s32 v7, v5;
	(v2sf) =	vpush v7, $0xF;
	_ =	sdelay $0x4  }
0xcc: {  	[tilespmem:v5+s3+$0x0] =	vst.idx.msk vm0, v63  }
0xcd: {  	s16 =	simm.s32 $0x80;
	s15 =	simm.s32 $0x10;
	[tilespmem:v5+s30+$0x0] =	vst.idx.msk vm0, v6  }
.LBB2_9:
0xce: {  	p1 =	sne.s32 s16, $0x7C0;
	v5 =	vld [tilespmem:s15+$0x3280];
	_ =	sdelay $0x4  }
0xcf: {  	v6 =	vsub.s32 v5, v0  }
0xd0: {  	vm0 =	vge.s32 v5, v0;
	vm1 =	vlt.s32 v6, $0x1388  }
0xd1: {  	vm0 =	vmand vm0, vm1  }
0xd2: {  	v5 =	vsel vm0, $0x1, v4;
	s17 =	spop (v2sf)  }
0xd3: {  	(xrf0) =	vadd.scan.msk.s32 $0xffff, v5;
	s14 =	sadd.s32 s14, s17  }
0xd4: {  	v5 =	vmov s14  }
0xd5: {  	v5 =	vadd.s32 $0xFFFFFFFF, v5  }
0xd6: {  	v5 =	vbroadcast v5, $0x0;
	_ =	sdelay $0x2  }
0xd7: {  	v7, _, _ =	vpop (xrf0)  }
0xd8: {  	v8 =	vld [tilespmem:s15+$0x2E80];
	v5 =	vadd.s32 v7, v5;
	(v2sf) =	vpush v7, $0xF;
	_ =	sdelay $0x1  }
.Ltmp5:
0xd9: {  	(pc) =	sbr.rel @p1 .LBB2_9-.Ltmp5, $3  }
0xda: {  	_ =	sdelay $0x1  }
0xdb: {  	[tilespmem:v5+s3+$0x0] =	vst.idx.msk vm0, v8  }
0xdc: {  	s15 =	sshra.s32 s16, $0x2;
	s16 =	sadd.s32 $0x40, s16;
	[tilespmem:v5+s30+$0x0] =	vst.idx.msk vm0, v6  }
0xdd: {  	v5 =	vld [tilespmem:s15+$0x3280];
	_ =	sdelay $0x4  }
0xde: {  	v6 =	vsub.s32 v5, v0  }
0xdf: {  	vm0 =	vge.s32 v5, v0;
	vm1 =	vlt.s32 v6, $0x1388  }
0xe0: {  	vm0 =	vmand vm0, vm1  }
0xe1: {  	v5 =	vsel vm0, $0x1, v4  }
0xe2: {  	(xrf0) =	vadd.scan.msk.s32 $0xffff, v5;
	_ =	sdelay $0x5  }
0xe3: {  	v5, _, _ =	vpop (xrf0)  }
0xe4: {  	(v2sf) =	vpush v5, $0xF;
	_ =	sdelay $0x3  }
0xe5: {  	s16 =	spop (v2sf)  }
0xe6: {  	s14 =	sadd.s32 s14, s16  }
0xe7: {  	v7 =	vmov s14  }
0xe8: {  	v7 =	vadd.s32 $0xFFFFFFFF, v7  }
0xe9: {  	v7 =	vbroadcast v7, $0x0;
	_ =	sdelay $0x1  }
0xea: {  	v8 =	vld [tilespmem:s15+$0x2E80];
	s13 =	sadd.s32 $0x1, s13;
	v5 =	vadd.s32 v5, v7  }
0xeb: {  	p1 =	sne.s32 s13, $0xA  }
.Ltmp6:
0xec: {  	_ = 	snop;
	(pc) =	sbr.rel @p1 .LBB2_6-.Ltmp6, $3  }
0xed: {  	_ =	sdelay $0x1  }
0xee: {  	[tilespmem:v5+s3+$0x0] =	vst.idx.msk vm0, v8;
	s23 =	spop (v2sf)  }
0xef: {  	[tilespmem:v5+s30+$0x0] =	vst.idx.msk vm0, v6;
	s14 =	sadd.s32 s14, s23  }
0xf0: {  	[bflag:$0x0] =	sbarrier.arrive $0xFFFF  }
0xf1: {  	[tilespmem:s26], [sflag:$0x1] =	stream.indirect.gather [hbm4b:s5+s8], $0x120, s3, s8, $0xb8;
	[tilespmem:$0x1E4C0] =	vst v63  }
0xf2: {  	v5 =	vld [tilespmem:$0x1640]  }
0xf3: {  	v6 =	vld [tilespmem:$0x1650];
	_ =	sdelay $0x1  }
0xf4: {  	s22 =	sadd.s32 $0x3F, s14  }
0xf5: {  	s13 =	sand.u32 $0x3F, s22  }
0xf6: {  	s23 =	sshra.s32 s22, $0x1F;
	p2 =	slt.s32 s22, $0x1;
	p1 =	sne.s32 s13, $0x0;
	[tilespmem:$0x7C80] =	vst v5  }
0xf7: {  	s12 =	simm.s32 $0x5880;
	s13 =	sshrl.u32 s23, $0x1A;
	p1 =	por !p2, !p1;
	[tilespmem:$0x7C90] =	vst v6  }
0xf8: {  	[tilespmem:s12], [sflag:$0x2] =	stream.indirect.gather [hbm4b:s5+s8], $0x120, s8, s8, $0xb8;
	[tilespmem:$0x1E4C0] =	vst v63  }
0xf9: {  	p2 =	por !p1, !p1;
	s12 =	sadd.s32 s13, s22;
	s13 =	simm.s32 $0x1  }
0xfa: {  	s15 =	sshra.s32 s12, $0x6;
	s13 =	simm.s32 @!p2 $0x0  }
0xfb: {  	v5 =	vld [tilespmem:$0x1660];
	s12 =	ssub.s32 s15, s13  }
0xfc: {  	v6 =	vld [tilespmem:$0x1670];
	p1 =	slt.s32 s12, $0x0  }
.Ltmp7:
0xfd: {  	_ = 	snop;
	(pc) =	sbr.rel @p1 .LBB2_15-.Ltmp7, $3  }
0xfe: {  	_ =	sdelay $0x1  }
0xff: {  	[tilespmem:$0x7CA0] =	vst v5  }
0x100: {  	[tilespmem:$0x7CB0] =	vst v6  }
0x101: {  	_ =	swait.ge [sflag:s9], $0x2400  }
0x102: {  	[sflag:s9] =	ssyncset.done $0x0  }
0x103: {  	[sflag:s9] =	ssyncadd.s32 $0xFFFFDC00  }
0x104: {  	[spmem:s2] =	stream.indirect.scatter.add.f32 [tilespmem:s26], [sflag:$0x5], $0x120, s10, s8, $0xb8;
	[tilespmem:$0x1E4C0] =	vst v63  }
0x105: {  	_ =	swait.ge [sflag:s28], $0x2400  }
0x106: {  	p1 =	sle.s32 s12, $0x0;
	[sflag:s28] =	ssyncset.done $0x0  }
0x107: {  	s13 =	simm.s32 @p1 $0x2;
	[sflag:s28] =	ssyncadd.s32 $0xFFFFDC00  }
0x108: {  	_ =	swait.ge @p1 [sflag:s13], $0x2400  }
0x109: {  	s14 =	simm.s32 @p1 $0x5880;
	s16 =	simm.s32 @p1 $0x5;
	[sflag:s13] =	ssyncset.done @p1 $0x0  }
0x10a: {  	s17 =	simm.s32 @p1 $0x7CA0;
	[sflag:s13] =	ssyncadd.s32 @p1 $0xFFFFDC00;
	s13 =	simm.s32 @p1 $0x20  }
0x10b: {  	[spmem:s2] =	stream.indirect.scatter.add.f32 @p1 [tilespmem:s14], [sflag:$0x5], $0x120, s17, s13, $0xb8;
	[tilespmem:$0x1E4C0] =	vst v63  }
0x10c: {  	_ =	swait.ge @p1 [sflag:s16], $0x2400  }
0x10d: {  	s13 =	simm.s32 $0x16B0;
	s14 =	simm.s32 @!p1 $0x3480;
	[sflag:s16] =	ssyncset.done @p1 $0x0  }
0x10e: {  	s17 =	simm.s32 @!p1 $0x20;
	[sflag:s16] =	ssyncadd.s32 @p1 $0xFFFFDC00;
	s16 =	simm.s32 @!p1 $0x40  }
0x10f: {  	[tilespmem:s14], [sflag:$0x1] =	stream.indirect.gather @!p1 [hbm4b:s5+s17], $0x120, s16, s17, $0xb8;
	[tilespmem:$0x1E4C0] =	vst v63  }
0x110: {  	v5 =	vld @!p1 [tilespmem:s13+$0xFFFFFFD0];
	_ =	sdelay $0x4  }
0x111: {  	[tilespmem:$0x7C80] =	vst @!p1 v5  }
0x112: {  	v5 =	vld @!p1 [tilespmem:s13+$0xFFFFFFE0];
	_ =	sdelay $0x4  }
0x113: {  	s14 =	simm.s32 @!p1 $0x2;
	[tilespmem:$0x7C90] =	vst @!p1 v5  }
0x114: {  	_ =	swait.ge @!p1 [sflag:s14], $0x2400  }
0x115: {  	s20 =	simm.s32 @!p1 $0x5880;
	[sflag:s14] =	ssyncset.done @!p1 $0x0  }
0x116: {  	s16 =	simm.s32 @!p1 $0x5;
	[sflag:s14] =	ssyncadd.s32 @!p1 $0xFFFFDC00;
	s14 =	simm.s32 @!p1 $0x7CA0  }
0x117: {  	[spmem:s2] =	stream.indirect.scatter.add.f32 @!p1 [tilespmem:s20], [sflag:$0x5], $0x120, s14, s17, $0xb8;
	[tilespmem:$0x1E4C0] =	vst v63  }
0x118: {  	_ =	swait.ge @!p1 [sflag:s16], $0x2400  }
0x119: {  	[sflag:s16] =	ssyncset.done @!p1 $0x0  }
0x11a: {  	s14 =	simm.s32 $0x60;
	[sflag:s16] =	ssyncadd.s32 @!p1 $0xFFFFDC00  }
0x11b: {  	[tilespmem:s20], [sflag:$0x2] =	stream.indirect.gather @!p1 [hbm4b:s5+s17], $0x120, s14, s17, $0xb8;
	[tilespmem:$0x1E4C0] =	vst v63  }
0x11c: {  	v5 =	vld @!p1 [tilespmem:s13+$0xFFFFFFF0]  }
0x11d: {  	s16 =	simm.s32 $0xFFFFFFFF  }
0x11e: {  	s16 =	simm.s32 @!p2 $0x0  }
0x11f: {  	s15 =	sadd.s32 s16, s15  }
0x120: {  	s15 =	sadd.s32 $0x1, s15  }
0x121: {  	p2 =	sne.s32 s15, $0x1;
	[tilespmem:$0x7CA0] =	vst @!p1 v5  }
.Ltmp8:
0x122: {  	v5 =	vld @!p1 [tilespmem:s13+$0x0];
	(pc) =	sbr.rel @!p2 .LBB2_14-.Ltmp8, $2  }
0x123: {  	_ =	sdelay $0x2  }
0x124: {  	s16 =	simm.s32 $0x1  }
.LBB2_13:
0x125: {  	s14 =	sadd.s32 $0x40, s14  }
0x126: {  	[tilespmem:$0x7CB0] =	vst @!p1 v5;
	s13 =	sadd.s32 $0x40, s13;
	s17 =	smov.u32 s16;
	s16 =	sadd.s32 $0x1, s16  }
0x127: {  	_ =	swait.ge [sflag:s9], $0x2400;
	p2 =	sne.s32 s15, s16  }
0x128: {  	[sflag:s9] =	ssyncset.done $0x0  }
0x129: {  	[sflag:s9] =	ssyncadd.s32 $0xFFFFDC00  }
0x12a: {  	[spmem:s2] =	stream.indirect.scatter.add.f32 [tilespmem:s26], [sflag:$0x5], $0x120, s10, s8, $0xb8;
	[tilespmem:$0x1E4C0] =	vst v63  }
0x12b: {  	_ =	swait.ge [sflag:s28], $0x2400  }
0x12c: {  	p1 =	sge.s32 s17, s12;
	[sflag:s28] =	ssyncset.done $0x0  }
0x12d: {  	s17 =	simm.s32 @p1 $0x2;
	[sflag:s28] =	ssyncadd.s32 $0xFFFFDC00  }
0x12e: {  	_ =	swait.ge @p1 [sflag:s17], $0x2400  }
0x12f: {  	s20 =	simm.s32 @p1 $0x5880;
	s22 =	simm.s32 @p1 $0x5;
	[sflag:s17] =	ssyncset.done @p1 $0x0  }
0x130: {  	s23 =	simm.s32 @p1 $0x7CA0;
	[sflag:s17] =	ssyncadd.s32 @p1 $0xFFFFDC00;
	s17 =	simm.s32 @p1 $0x20  }
0x131: {  	[spmem:s2] =	stream.indirect.scatter.add.f32 @p1 [tilespmem:s20], [sflag:$0x5], $0x120, s23, s17, $0xb8;
	[tilespmem:$0x1E4C0] =	vst v63  }
0x132: {  	_ =	swait.ge @p1 [sflag:s22], $0x2400  }
0x133: {  	s17 =	simm.s32 @!p1 $0x3480;
	[sflag:s22] =	ssyncset.done @p1 $0x0  }
0x134: {  	s20 =	sadd.s32 @!p1 $0xFFFFFFE0, s14;
	[sflag:s22] =	ssyncadd.s32 @p1 $0xFFFFDC00;
	s22 =	simm.s32 @!p1 $0x20  }
0x135: {  	[tilespmem:s17], [sflag:$0x1] =	stream.indirect.gather @!p1 [hbm4b:s5+s22], $0x120, s20, s22, $0xb8;
	[tilespmem:$0x1E4C0] =	vst v63  }
0x136: {  	v5 =	vld @!p1 [tilespmem:s13+$0xFFFFFFD0];
	_ =	sdelay $0x4  }
0x137: {  	[tilespmem:$0x7C80] =	vst @!p1 v5  }
0x138: {  	v5 =	vld @!p1 [tilespmem:s13+$0xFFFFFFE0];
	_ =	sdelay $0x4  }
0x139: {  	s17 =	simm.s32 @!p1 $0x2;
	[tilespmem:$0x7C90] =	vst @!p1 v5  }
0x13a: {  	_ =	swait.ge @!p1 [sflag:s17], $0x2400  }
0x13b: {  	s20 =	simm.s32 @!p1 $0x5;
	[sflag:s17] =	ssyncset.done @!p1 $0x0  }
0x13c: {  	s23 =	simm.s32 @!p1 $0x5880;
	[sflag:s17] =	ssyncadd.s32 @!p1 $0xFFFFDC00;
	s17 =	simm.s32 @!p1 $0x7CA0  }
0x13d: {  	[spmem:s2] =	stream.indirect.scatter.add.f32 @!p1 [tilespmem:s23], [sflag:$0x5], $0x120, s17, s22, $0xb8;
	[tilespmem:$0x1E4C0] =	vst v63  }
0x13e: {  	_ =	swait.ge @!p1 [sflag:s20], $0x2400  }
0x13f: {  	[sflag:s20] =	ssyncset.done @!p1 $0x0  }
0x140: {  	[sflag:s20] =	ssyncadd.s32 @!p1 $0xFFFFDC00  }
0x141: {  	[tilespmem:s23], [sflag:$0x2] =	stream.indirect.gather @!p1 [hbm4b:s5+s22], $0x120, s14, s22, $0xb8;
	[tilespmem:$0x1E4C0] =	vst v63  }
0x142: {  	v5 =	vld @!p1 [tilespmem:s13+$0xFFFFFFF0];
	_ =	sdelay $0x1  }
.Ltmp9:
0x143: {  	(pc) =	sbr.rel @p2 .LBB2_13-.Ltmp9, $3  }
0x144: {  	_ =	sdelay $0x1  }
0x145: {  	[tilespmem:$0x7CA0] =	vst @!p1 v5  }
0x146: {  	v5 =	vld @!p1 [tilespmem:s13+$0x0]  }
.Ltmp10:
0x147: {  	_ = 	snop;
	(pc) =	sbr.rel .LBB2_14-.Ltmp10, $1  }
0x148: {  	_ =	sdelay $0x3  }
.LBB2_16:
0x149: {  	_ =	sfence.sel $0x180000  }
0x14a: {  	[bflag:$0x0] =	sbarrier.arrive $0xFFFF  }
0x14b: {  	_ =	strace $0x90000047  }
0x14c: {  	s0 =	stileid.u32;
	[bflag:$0x2] =	sbarrier.arrive $0xFFFF  }
0x14d: {  	p0 =	sne.s32 s0, $0x0;
	s0 =	rddreg [dreg:$0x3]  }
0x14e: {  	s0 =	sadd.s32 @!p0 $0x100000, s0  }
0x14f: {  	[sflag:s0] =	ssyncadd.tile.s32 @!p0 $0x1;
	_ =	shalt  }
.Lfunc_end2:
_tile_overlayer_lowered:
.L_overlay_start_2:
0x150: {  	(tag) =	ssettag $0x2  }
0x151: {  	s0 =	rddreg [dreg:$0x0];
	s2 =	stileid.u32  }
0x152: {  	s1 =	rddreg [dreg:$0x1];
	p0 =	sne.s32 s2, $0x0  }
0x153: {  	s3 =	rddreg [dreg:$0x2];
	[bflag:$0x3] =	sbarrier.arrive $0xFFFF;
	s2 =	simm.s32 @!p0 $0x1C05  }
0x154: {  	[timem:s3], [sflag:s2] =	dma.local @!p0 [hbm:s0], s1  }
0x155: {  	s0 =	simm.s32 @!p0 $0x5  }
0x156: {  	_ =	swait.ge @!p0 [sflag:s0], s1  }
0x157: {  	s1 =	ssub.s32 @!p0 $0x0, s1;
	[sflag:s0] =	ssyncset.done @!p0 $0x0  }
0x158: {  	[sflag:s0] =	ssyncadd.s32 @!p0 s1  }
0x159: {  	[bflag:$0x3] =	sbarrier.arrive $0xFFFF  }
0x15a: {  	_ =	shalt  }

</sc_bundles>
